<compile_context>
chip_gen: v7x
topology: tpu7x:2x2x1
jax: 0.10.2.dev20260603
libtpu: 0.0.44.dev20260713+nightly
codegen_flags: <defaults>
</compile_context>

<pallas_src>
import functools

import jax
import jax.numpy as jnp
from jax import lax
from jax.experimental import pallas as pl
from jax.experimental.pallas import tpu as pltpu
from jax.experimental.pallas import tpu_sc as plsc

T = 128
H = 1024
I = 512
E = 64
K = 2
EPB = 2

NC = 2
NS = 16
NW = NC * NS
LANES = 16
TOK_PER_W = T // NW
NEG_INF = float("-inf")


def _router_body(x_ref, rw_ref, out_ref):
    out_ref[...] = lax.dot_general(
        rw_ref[...], x_ref[...],
        dimension_numbers=(((1,), (1,)), ((), ())),
        precision=lax.Precision.HIGHEST,
        preferred_element_type=jnp.float32,
    )


def _router_logits(x, router_weight):
    return pl.pallas_call(
        _router_body,
        out_shape=jax.ShapeDtypeStruct((E, T), jnp.float32),
    )(x, router_weight)


NGRP = T // LANES


def _sc_routing_body(logits_hbm, scores_hbm, idx_hbm,
                     lg_v, s1_v, s2_v, i1_v, i2_v):
    wid = lax.axis_index("s") * NC + lax.axis_index("c")

    @pl.when(wid < NGRP)
    def _():
        pltpu.sync_copy(logits_hbm, lg_v)
        ninf = jnp.full((LANES,), NEG_INF, jnp.float32)
        m1 = ninf
        m2 = ninf
        i1 = jnp.zeros((LANES,), jnp.int32)
        i2 = jnp.zeros((LANES,), jnp.int32)
        col = wid * LANES
        for e in range(E):
            v = lg_v[e, pl.ds(col, LANES)]
            ev = jnp.full((LANES,), jnp.int32(e), jnp.int32)
            gt1 = v > m1
            gt2 = v > m2
            m2 = jnp.where(gt1, m1, jnp.where(gt2, v, m2))
            i2 = jnp.where(gt1, i1, jnp.where(gt2, ev, i2))
            m1 = jnp.where(gt1, v, m1)
            i1 = jnp.where(gt1, ev, i1)
        s1 = 1.0 / (1.0 + jnp.exp(m2 - m1))
        s1_v[...] = s1
        s2_v[...] = 1.0 - s1
        i1_v[...] = i1
        i2_v[...] = i2
        pltpu.sync_copy(s1_v, scores_hbm.at[0, pl.ds(col, LANES)])
        pltpu.sync_copy(s2_v, scores_hbm.at[1, pl.ds(col, LANES)])
        pltpu.sync_copy(i1_v, idx_hbm.at[0, pl.ds(col, LANES)])
        pltpu.sync_copy(i2_v, idx_hbm.at[1, pl.ds(col, LANES)])


def _sc_routing(logits_t):
    mesh = plsc.VectorSubcoreMesh(
        core_axis_name="c", subcore_axis_name="s",
        num_cores=NC, num_subcores=NS)
    f = pl.kernel(
        _sc_routing_body,
        out_type=(
            jax.ShapeDtypeStruct((K, T), jnp.float32),
            jax.ShapeDtypeStruct((K, T), jnp.int32),
        ),
        mesh=mesh,
        scratch_types=[
            pltpu.VMEM((E, T), jnp.float32),
            pltpu.VMEM((LANES,), jnp.float32),
            pltpu.VMEM((LANES,), jnp.float32),
            pltpu.VMEM((LANES,), jnp.int32),
            pltpu.VMEM((LANES,), jnp.int32),
        ],
    )
    return f(logits_t)


def _moe_body(x_ref, w1_ref, w2_ref, sc_ref, ix_ref, out_ref, xb_ref):
    e = pl.program_id(0)

    @pl.when(e == 0)
    def _():
        xb_ref[...] = x_ref[...].astype(jnp.bfloat16)

    xb = xb_ref[...]
    contrib = jnp.zeros((T, H), jnp.float32)
    for j in range(EPB):
        w1b = w1_ref[j].astype(jnp.bfloat16)
        gate = lax.dot_general(
            xb, w1b[:I, :], dimension_numbers=(((1,), (1,)), ((), ())),
            preferred_element_type=jnp.float32)
        up = lax.dot_general(
            xb, w1b[I:, :], dimension_numbers=(((1,), (1,)), ((), ())),
            preferred_element_type=jnp.float32)
        h = (gate * jax.nn.sigmoid(gate)) * up
        hb = h.astype(jnp.bfloat16)
        w2b = w2_ref[j].astype(jnp.bfloat16)
        y = lax.dot_general(
            hb, w2b, dimension_numbers=(((1,), (1,)), ((), ())),
            preferred_element_type=jnp.float32)

        ee = e * EPB + j
        sel = jnp.where(ix_ref[...] == ee, sc_ref[...], 0.0)
        selp = jnp.concatenate(
            [sel, jnp.zeros((8 - K, T), jnp.float32)], axis=0)
        wcol = jnp.sum(jnp.transpose(selp), axis=1, keepdims=True)
        contrib = contrib + y * wcol

    @pl.when(e == 0)
    def _():
        out_ref[...] = contrib

    @pl.when(e > 0)
    def _():
        out_ref[...] += contrib


def _moe(x, w1, w2, scores_t, idx_t):
    return pl.pallas_call(
        _moe_body,
        grid=(E // EPB,),
        in_specs=[
            pl.BlockSpec((T, H), lambda e: (0, 0)),
            pl.BlockSpec((EPB, 2 * I, H), lambda e: (e, 0, 0)),
            pl.BlockSpec((EPB, H, I), lambda e: (e, 0, 0)),
            pl.BlockSpec((K, T), lambda e: (0, 0)),
            pl.BlockSpec((K, T), lambda e: (0, 0)),
        ],
        out_specs=pl.BlockSpec((T, H), lambda e: (0, 0)),
        out_shape=jax.ShapeDtypeStruct((T, H), jnp.float32),
        scratch_shapes=[pltpu.VMEM((T, H), jnp.bfloat16)],
    )(x, w1, w2, scores_t, idx_t)


def kernel(hidden_states, router_weight, w1, w2):
    orig_shape = hidden_states.shape
    x = hidden_states.reshape(-1, orig_shape[-1])
    logits_t = _router_logits(x, router_weight)
    scores_t, idx_t = _sc_routing(logits_t)
    out = _moe(x, w1, w2, scores_t, idx_t)
    return out.reshape(orig_shape)

# --- scband reference (transcript-rebuilt; emitter-appended) ---
"""Pipeline reference for scband-experts-38165079392793 (READ-ONLY COPY).

The authoritative reference and input builder live on the scoring server;
editing this copy changes nothing except your own understanding.
"""

import jax, jax.numpy as jnp
import numpy as np

H = 1024  # hidden_size
I = 512   # moe_intermediate_size
E = 64    # moe_num_experts
K = 2     # moe_topk
T = 128   # tokens (batch=128, q_len=1)


def setup_inputs(seed: int = 0) -> dict:
    key = jax.random.key(seed)
    k1, k2, k3, k4 = jax.random.split(key, 4)
    hidden_states = jax.random.normal(k1, (T, H), dtype=jnp.float32)
    router_weight = jax.random.normal(k2, (E, H), dtype=jnp.float32) * 0.02
    # vLLM fused_moe layout: w1 is [E, 2*I, H] (gate rows then up rows), w2 is [E, H, I]
    w1 = jax.random.normal(k3, (E, 2 * I, H), dtype=jnp.float32) * 0.02
    w2 = jax.random.normal(k4, (E, H, I), dtype=jnp.float32) * 0.02
    return {"hidden_states": hidden_states, "router_weight": router_weight, "w1": w1, "w2": w2}


def reference(hidden_states, router_weight, w1, w2):
    orig_shape = hidden_states.shape
    x = hidden_states.reshape(-1, orig_shape[-1])
    # router: F.linear(hidden_states, router_weight)
    router_logits = x @ router_weight.T
    # custom_routing_function: topk over experts then softmax over top logits (fp32)
    top_logits, top_idx = jax.lax.top_k(router_logits, K)
    scores = jax.nn.softmax(top_logits.astype(jnp.float32), axis=-1)  # [T, K]
    onehot = jax.nn.one_hot(top_idx, E, dtype=jnp.float32)  # [T, K, E]
    combine = jnp.einsum('tk,tke->te', scores, onehot)  # [T, E] per-token expert weights
    # expert MLPs (dense-equivalent of fused_moe; masked by combine weights)
    gate_up = jnp.einsum('th,eih->tei', x, w1)  # [T, E, 2I]
    gate = gate_up[..., :I]
    up = gate_up[..., I:]
    h = jax.nn.silu(gate) * up  # [T, E, I]
    y = jnp.einsum('tei,ehi->teh', h, w2)  # [T, E, H]
    out = jnp.einsum('teh,te->th', y, combine)  # weighted combine over top-k experts
    return out.reshape(orig_shape)

if __name__ == "__main__":
    import jax
    _d = setup_inputs()
    print(jax.jit(kernel)(*tuple(_d.values())))

</pallas_src>

<mosaic_0001>
#map = affine_map<(d0, d1) -> (0, 0)>
module attributes {stable_mosaic.version = 14 : i64} {
  func.func @_sc_routing_body(%arg0: i32, %arg1: i32, %arg2: memref<64x128xf32, #tpu.memory_space<hbm>>, %arg3: memref<2x128xf32, #tpu.memory_space<hbm>>, %arg4: memref<2x128xi32, #tpu.memory_space<hbm>>, %arg5: memref<64x128xf32, #tpu.memory_space<vmem>>, %arg6: memref<16xf32, #tpu.memory_space<vmem>>, %arg7: memref<16xf32, #tpu.memory_space<vmem>>, %arg8: memref<16xi32, #tpu.memory_space<vmem>>, %arg9: memref<16xi32, #tpu.memory_space<vmem>>) attributes {dimension_semantics = [#tpu.dimension_semantics<core_parallel>, #tpu.dimension_semantics<subcore_parallel>], iteration_bounds = array<i64: 2, 16>, scalar_prefetch = 0 : i64, scratch_operands = 5 : i64, tpu.core_type = #tpu.core_type<sc_vector_subcore>, window_params = [{transform_indices = #map}, {transform_indices = #map}, {transform_indices = #map}]} {
    %mul3A = arith.constant 2 : i32
    %mul3A_0 = arith.muli %arg1, %mul3A : i32
    %add3A = arith.addi %mul3A_0, %arg0 : i32
    %lt3A = arith.constant 8 : i32
    %lt3A_1 = arith.cmpi slt, %add3A, %lt3A : i32
    %convert_element_type3A = arith.extui %lt3A_1 : i1 to i32
    %cond3A = arith.constant 0 : i32
    %cond3A_2 = arith.cmpi ne, %convert_element_type3A, %cond3A : i32
    scf.if %cond3A_2 {
      "tpu.region"() ({
        %run_scoped3A_993 = tpu.sem_alloc : memref<!tpu.dma_semaphore, #tpu.memory_space<semaphore_mem>>
        tpu.enqueue_dma source(%arg2 : memref<64x128xf32, #tpu.memory_space<hbm>>) target(%arg5 : memref<64x128xf32, #tpu.memory_space<vmem>>) target_semaphore(%run_scoped3A_993 : memref<!tpu.dma_semaphore, #tpu.memory_space<semaphore_mem>>)
        tpu.wait_dma2 semaphore(%run_scoped3A_993 : memref<!tpu.dma_semaphore, #tpu.memory_space<semaphore_mem>>) src(%arg2 : memref<64x128xf32, #tpu.memory_space<hbm>>) dst(%arg5 : memref<64x128xf32, #tpu.memory_space<vmem>>)
        tpu.yield
      }) : () -> ()
      %broadcast_in_dim3A = arith.constant 0xFF800000 : f32
      %broadcast_in_dim3A_3 = vector.broadcast %broadcast_in_dim3A : f32 to vector<16xf32>
      %broadcast_in_dim3A_4 = arith.constant 0 : i32
      %broadcast_in_dim3A_5 = vector.broadcast %broadcast_in_dim3A_4 : i32 to vector<16xi32>
      %broadcast_in_dim3A_6 = arith.constant 0 : i32
      %broadcast_in_dim3A_7 = vector.broadcast %broadcast_in_dim3A_6 : i32 to vector<16xi32>
      %mul3A_8 = arith.constant 16 : i32
      %mul3A_9 = arith.muli %add3A, %mul3A_8 : i32
      %get3A = arith.constant 0 : i32
      %get3A_10 = arith.index_cast %get3A : i32 to index
      %get3A_11 = arith.index_cast %mul3A_9 : i32 to index
      %get3A_12 = tpu.vector_load %arg5[%get3A_10, %get3A_11] {strides = array<i32>} : memref<64x128xf32, #tpu.memory_space<vmem>>, vector<1x16xf32>,
      %get3A_13 = vector.shape_cast %get3A_12 : vector<1x16xf32> to vector<16xf32>
      %broadcast_in_dim3A_14 = arith.constant 0 : i32
      %broadcast_in_dim3A_15 = vector.broadcast %broadcast_in_dim3A_14 : i32 to vector<16xi32>
      %gt3A = arith.cmpf ogt, %get3A_13, %broadcast_in_dim3A_3 : vector<16xf32>
      %gt3A_16 = arith.cmpf ogt, %get3A_13, %broadcast_in_dim3A_3 : vector<16xf32>
      %select_n3A = arith.select %gt3A_16, %get3A_13, %broadcast_in_dim3A_3 : vector<16xi1>, vector<16xf32>
      %select_n3A_17 = arith.select %gt3A, %broadcast_in_dim3A_3, %select_n3A : vector<16xi1>, vector<16xf32>
      %select_n3A_18 = arith.select %gt3A_16, %broadcast_in_dim3A_15, %broadcast_in_dim3A_7 : vector<16xi1>, vector<16xi32>
      %select_n3A_19 = arith.select %gt3A, %broadcast_in_dim3A_5, %select_n3A_18 : vector<16xi1>, vector<16xi32>
      %select_n3A_20 = arith.select %gt3A, %get3A_13, %broadcast_in_dim3A_3 : vector<16xi1>, vector<16xf32>
      %select_n3A_21 = arith.select %gt3A, %broadcast_in_dim3A_15, %broadcast_in_dim3A_5 : vector<16xi1>, vector<16xi32>
      %get3A_22 = arith.constant 1 : i32
      %get3A_23 = arith.index_cast %get3A_22 : i32 to index
      %get3A_24 = arith.index_cast %mul3A_9 : i32 to index
      %get3A_25 = tpu.vector_load %arg5[%get3A_23, %get3A_24] {strides = array<i32>} : memref<64x128xf32, #tpu.memory_space<vmem>>, vector<1x16xf32>,
      %get3A_26 = vector.shape_cast %get3A_25 : vector<1x16xf32> to vector<16xf32>
      %broadcast_in_dim3A_27 = arith.constant 1 : i32
      %broadcast_in_dim3A_28 = vector.broadcast %broadcast_in_dim3A_27 : i32 to vector<16xi32>
      %gt3A_29 = arith.cmpf ogt, %get3A_26, %select_n3A_20 : vector<16xf32>
      %gt3A_30 = arith.cmpf ogt, %get3A_26, %select_n3A_17 : vector<16xf32>
      %select_n3A_31 = arith.select %gt3A_30, %get3A_26, %select_n3A_17 : vector<16xi1>, vector<16xf32>
      %select_n3A_32 = arith.select %gt3A_29, %select_n3A_20, %select_n3A_31 : vector<16xi1>, vector<16xf32>
      %select_n3A_33 = arith.select %gt3A_30, %broadcast_in_dim3A_28, %select_n3A_19 : vector<16xi1>, vector<16xi32>
      %select_n3A_34 = arith.select %gt3A_29, %select_n3A_21, %select_n3A_33 : vector<16xi1>, vector<16xi32>
      %select_n3A_35 = arith.select %gt3A_29, %get3A_26, %select_n3A_20 : vector<16xi1>, vector<16xf32>
      %select_n3A_36 = arith.select %gt3A_29, %broadcast_in_dim3A_28, %select_n3A_21 : vector<16xi1>, vector<16xi32>
      %get3A_37 = arith.constant 2 : i32
      %get3A_38 = arith.index_cast %get3A_37 : i32 to index
      %get3A_39 = arith.index_cast %mul3A_9 : i32 to index
      %get3A_40 = tpu.vector_load %arg5[%get3A_38, %get3A_39] {strides = array<i32>} : memref<64x128xf32, #tpu.memory_space<vmem>>, vector<1x16xf32>,
      %get3A_41 = vector.shape_cast %get3A_40 : vector<1x16xf32> to vector<16xf32>
      %broadcast_in_dim3A_42 = arith.constant 2 : i32
      %broadcast_in_dim3A_43 = vector.broadcast %broadcast_in_dim3A_42 : i32 to vector<16xi32>
      %gt3A_44 = arith.cmpf ogt, %get3A_41, %select_n3A_35 : vector<16xf32>
      %gt3A_45 = arith.cmpf ogt, %get3A_41, %select_n3A_32 : vector<16xf32>
      %select_n3A_46 = arith.select %gt3A_45, %get3A_41, %select_n3A_32 : vector<16xi1>, vector<16xf32>
      %select_n3A_47 = arith.select %gt3A_44, %select_n3A_35, %select_n3A_46 : vector<16xi1>, vector<16xf32>
      %select_n3A_48 = arith.select %gt3A_45, %broadcast_in_dim3A_43, %select_n3A_34 : vector<16xi1>, vector<16xi32>
      %select_n3A_49 = arith.select %gt3A_44, %select_n3A_36, %select_n3A_48 : vector<16xi1>, vector<16xi32>
      %select_n3A_50 = arith.select %gt3A_44, %get3A_41, %select_n3A_35 : vector<16xi1>, vector<16xf32>
      %select_n3A_51 = arith.select %gt3A_44, %broadcast_in_dim3A_43, %select_n3A_36 : vector<16xi1>, vector<16xi32>
      %get3A_52 = arith.constant 3 : i32
      %get3A_53 = arith.index_cast %get3A_52 : i32 to index
      %get3A_54 = arith.index_cast %mul3A_9 : i32 to index
      %get3A_55 = tpu.vector_load %arg5[%get3A_53, %get3A_54] {strides = array<i32>} : memref<64x128xf32, #tpu.memory_space<vmem>>, vector<1x16xf32>,
      %get3A_56 = vector.shape_cast %get3A_55 : vector<1x16xf32> to vector<16xf32>
      %broadcast_in_dim3A_57 = arith.constant 3 : i32
      %broadcast_in_dim3A_58 = vector.broadcast %broadcast_in_dim3A_57 : i32 to vector<16xi32>
      %gt3A_59 = arith.cmpf ogt, %get3A_56, %select_n3A_50 : vector<16xf32>
      %gt3A_60 = arith.cmpf ogt, %get3A_56, %select_n3A_47 : vector<16xf32>
      %select_n3A_61 = arith.select %gt3A_60, %get3A_56, %select_n3A_47 : vector<16xi1>, vector<16xf32>
      %select_n3A_62 = arith.select %gt3A_59, %select_n3A_50, %select_n3A_61 : vector<16xi1>, vector<16xf32>
      %select_n3A_63 = arith.select %gt3A_60, %broadcast_in_dim3A_58, %select_n3A_49 : vector<16xi1>, vector<16xi32>
      %select_n3A_64 = arith.select %gt3A_59, %select_n3A_51, %select_n3A_63 : vector<16xi1>, vector<16xi32>
      %select_n3A_65 = arith.select %gt3A_59, %get3A_56, %select_n3A_50 : vector<16xi1>, vector<16xf32>
      %select_n3A_66 = arith.select %gt3A_59, %broadcast_in_dim3A_58, %select_n3A_51 : vector<16xi1>, vector<16xi32>
      %get3A_67 = arith.constant 4 : i32
      %get3A_68 = arith.index_cast %get3A_67 : i32 to index
      %get3A_69 = arith.index_cast %mul3A_9 : i32 to index
      %get3A_70 = tpu.vector_load %arg5[%get3A_68, %get3A_69] {strides = array<i32>} : memref<64x128xf32, #tpu.memory_space<vmem>>, vector<1x16xf32>,
      %get3A_71 = vector.shape_cast %get3A_70 : vector<1x16xf32> to vector<16xf32>
      %broadcast_in_dim3A_72 = arith.constant 4 : i32
      %broadcast_in_dim3A_73 = vector.broadcast %broadcast_in_dim3A_72 : i32 to vector<16xi32>
      %gt3A_74 = arith.cmpf ogt, %get3A_71, %select_n3A_65 : vector<16xf32>
      %gt3A_75 = arith.cmpf ogt, %get3A_71, %select_n3A_62 : vector<16xf32>
      %select_n3A_76 = arith.select %gt3A_75, %get3A_71, %select_n3A_62 : vector<16xi1>, vector<16xf32>
      %select_n3A_77 = arith.select %gt3A_74, %select_n3A_65, %select_n3A_76 : vector<16xi1>, vector<16xf32>
      %select_n3A_78 = arith.select %gt3A_75, %broadcast_in_dim3A_73, %select_n3A_64 : vector<16xi1>, vector<16xi32>
      %select_n3A_79 = arith.select %gt3A_74, %select_n3A_66, %select_n3A_78 : vector<16xi1>, vector<16xi32>
      %select_n3A_80 = arith.select %gt3A_74, %get3A_71, %select_n3A_65 : vector<16xi1>, vector<16xf32>
      %select_n3A_81 = arith.select %gt3A_74, %broadcast_in_dim3A_73, %select_n3A_66 : vector<16xi1>, vector<16xi32>
      %get3A_82 = arith.constant 5 : i32
      %get3A_83 = arith.index_cast %get3A_82 : i32 to index
      %get3A_84 = arith.index_cast %mul3A_9 : i32 to index
      %get3A_85 = tpu.vector_load %arg5[%get3A_83, %get3A_84] {strides = array<i32>} : memref<64x128xf32, #tpu.memory_space<vmem>>, vector<1x16xf32>,
      %get3A_86 = vector.shape_cast %get3A_85 : vector<1x16xf32> to vector<16xf32>
      %broadcast_in_dim3A_87 = arith.constant 5 : i32
      %broadcast_in_dim3A_88 = vector.broadcast %broadcast_in_dim3A_87 : i32 to vector<16xi32>
      %gt3A_89 = arith.cmpf ogt, %get3A_86, %select_n3A_80 : vector<16xf32>
      %gt3A_90 = arith.cmpf ogt, %get3A_86, %select_n3A_77 : vector<16xf32>
      %select_n3A_91 = arith.select %gt3A_90, %get3A_86, %select_n3A_77 : vector<16xi1>, vector<16xf32>
      %select_n3A_92 = arith.select %gt3A_89, %select_n3A_80, %select_n3A_91 : vector<16xi1>, vector<16xf32>
      %select_n3A_93 = arith.select %gt3A_90, %broadcast_in_dim3A_88, %select_n3A_79 : vector<16xi1>, vector<16xi32>
      %select_n3A_94 = arith.select %gt3A_89, %select_n3A_81, %select_n3A_93 : vector<16xi1>, vector<16xi32>
      %select_n3A_95 = arith.select %gt3A_89, %get3A_86, %select_n3A_80 : vector<16xi1>, vector<16xf32>
      %select_n3A_96 = arith.select %gt3A_89, %broadcast_in_dim3A_88, %select_n3A_81 : vector<16xi1>, vector<16xi32>
      %get3A_97 = arith.constant 6 : i32
      %get3A_98 = arith.index_cast %get3A_97 : i32 to index
      %get3A_99 = arith.index_cast %mul3A_9 : i32 to index
      %get3A_100 = tpu.vector_load %arg5[%get3A_98, %get3A_99] {strides = array<i32>} : memref<64x128xf32, #tpu.memory_space<vmem>>, vector<1x16xf32>,
      %get3A_101 = vector.shape_cast %get3A_100 : vector<1x16xf32> to vector<16xf32>
      %broadcast_in_dim3A_102 = arith.constant 6 : i32
      %broadcast_in_dim3A_103 = vector.broadcast %broadcast_in_dim3A_102 : i32 to vector<16xi32>
      %gt3A_104 = arith.cmpf ogt, %get3A_101, %select_n3A_95 : vector<16xf32>
      %gt3A_105 = arith.cmpf ogt, %get3A_101, %select_n3A_92 : vector<16xf32>
      %select_n3A_106 = arith.select %gt3A_105, %get3A_101, %select_n3A_92 : vector<16xi1>, vector<16xf32>
      %select_n3A_107 = arith.select %gt3A_104, %select_n3A_95, %select_n3A_106 : vector<16xi1>, vector<16xf32>
      %select_n3A_108 = arith.select %gt3A_105, %broadcast_in_dim3A_103, %select_n3A_94 : vector<16xi1>, vector<16xi32>
      %select_n3A_109 = arith.select %gt3A_104, %select_n3A_96, %select_n3A_108 : vector<16xi1>, vector<16xi32>
      %select_n3A_110 = arith.select %gt3A_104, %get3A_101, %select_n3A_95 : vector<16xi1>, vector<16xf32>
      %select_n3A_111 = arith.select %gt3A_104, %broadcast_in_dim3A_103, %select_n3A_96 : vector<16xi1>, vector<16xi32>
      %get3A_112 = arith.constant 7 : i32
      %get3A_113 = arith.index_cast %get3A_112 : i32 to index
      %get3A_114 = arith.index_cast %mul3A_9 : i32 to index
      %get3A_115 = tpu.vector_load %arg5[%get3A_113, %get3A_114] {strides = array<i32>} : memref<64x128xf32, #tpu.memory_space<vmem>>, vector<1x16xf32>,
      %get3A_116 = vector.shape_cast %get3A_115 : vector<1x16xf32> to vector<16xf32>
      %broadcast_in_dim3A_117 = arith.constant 7 : i32
      %broadcast_in_dim3A_118 = vector.broadcast %broadcast_in_dim3A_117 : i32 to vector<16xi32>
      %gt3A_119 = arith.cmpf ogt, %get3A_116, %select_n3A_110 : vector<16xf32>
      %gt3A_120 = arith.cmpf ogt, %get3A_116, %select_n3A_107 : vector<16xf32>
      %select_n3A_121 = arith.select %gt3A_120, %get3A_116, %select_n3A_107 : vector<16xi1>, vector<16xf32>
      %select_n3A_122 = arith.select %gt3A_119, %select_n3A_110, %select_n3A_121 : vector<16xi1>, vector<16xf32>
      %select_n3A_123 = arith.select %gt3A_120, %broadcast_in_dim3A_118, %select_n3A_109 : vector<16xi1>, vector<16xi32>
      %select_n3A_124 = arith.select %gt3A_119, %select_n3A_111, %select_n3A_123 : vector<16xi1>, vector<16xi32>
      %select_n3A_125 = arith.select %gt3A_119, %get3A_116, %select_n3A_110 : vector<16xi1>, vector<16xf32>
      %select_n3A_126 = arith.select %gt3A_119, %broadcast_in_dim3A_118, %select_n3A_111 : vector<16xi1>, vector<16xi32>
      %get3A_127 = arith.constant 8 : i32
      %get3A_128 = arith.index_cast %get3A_127 : i32 to index
      %get3A_129 = arith.index_cast %mul3A_9 : i32 to index
      %get3A_130 = tpu.vector_load %arg5[%get3A_128, %get3A_129] {strides = array<i32>} : memref<64x128xf32, #tpu.memory_space<vmem>>, vector<1x16xf32>,
      %get3A_131 = vector.shape_cast %get3A_130 : vector<1x16xf32> to vector<16xf32>
      %broadcast_in_dim3A_132 = arith.constant 8 : i32
      %broadcast_in_dim3A_133 = vector.broadcast %broadcast_in_dim3A_132 : i32 to vector<16xi32>
      %gt3A_134 = arith.cmpf ogt, %get3A_131, %select_n3A_125 : vector<16xf32>
      %gt3A_135 = arith.cmpf ogt, %get3A_131, %select_n3A_122 : vector<16xf32>
      %select_n3A_136 = arith.select %gt3A_135, %get3A_131, %select_n3A_122 : vector<16xi1>, vector<16xf32>
      %select_n3A_137 = arith.select %gt3A_134, %select_n3A_125, %select_n3A_136 : vector<16xi1>, vector<16xf32>
      %select_n3A_138 = arith.select %gt3A_135, %broadcast_in_dim3A_133, %select_n3A_124 : vector<16xi1>, vector<16xi32>
      %select_n3A_139 = arith.select %gt3A_134, %select_n3A_126, %select_n3A_138 : vector<16xi1>, vector<16xi32>
      %select_n3A_140 = arith.select %gt3A_134, %get3A_131, %select_n3A_125 : vector<16xi1>, vector<16xf32>
      %select_n3A_141 = arith.select %gt3A_134, %broadcast_in_dim3A_133, %select_n3A_126 : vector<16xi1>, vector<16xi32>
      %get3A_142 = arith.constant 9 : i32
      %get3A_143 = arith.index_cast %get3A_142 : i32 to index
      %get3A_144 = arith.index_cast %mul3A_9 : i32 to index
      %get3A_145 = tpu.vector_load %arg5[%get3A_143, %get3A_144] {strides = array<i32>} : memref<64x128xf32, #tpu.memory_space<vmem>>, vector<1x16xf32>,
      %get3A_146 = vector.shape_cast %get3A_145 : vector<1x16xf32> to vector<16xf32>
      %broadcast_in_dim3A_147 = arith.constant 9 : i32
      %broadcast_in_dim3A_148 = vector.broadcast %broadcast_in_dim3A_147 : i32 to vector<16xi32>
      %gt3A_149 = arith.cmpf ogt, %get3A_146, %select_n3A_140 : vector<16xf32>
      %gt3A_150 = arith.cmpf ogt, %get3A_146, %select_n3A_137 : vector<16xf32>
      %select_n3A_151 = arith.select %gt3A_150, %get3A_146, %select_n3A_137 : vector<16xi1>, vector<16xf32>
      %select_n3A_152 = arith.select %gt3A_149, %select_n3A_140, %select_n3A_151 : vector<16xi1>, vector<16xf32>
      %select_n3A_153 = arith.select %gt3A_150, %broadcast_in_dim3A_148, %select_n3A_139 : vector<16xi1>, vector<16xi32>
      %select_n3A_154 = arith.select %gt3A_149, %select_n3A_141, %select_n3A_153 : vector<16xi1>, vector<16xi32>
      %select_n3A_155 = arith.select %gt3A_149, %get3A_146, %select_n3A_140 : vector<16xi1>, vector<16xf32>
      %select_n3A_156 = arith.select %gt3A_149, %broadcast_in_dim3A_148, %select_n3A_141 : vector<16xi1>, vector<16xi32>
      %get3A_157 = arith.constant 10 : i32
      %get3A_158 = arith.index_cast %get3A_157 : i32 to index
      %get3A_159 = arith.index_cast %mul3A_9 : i32 to index
      %get3A_160 = tpu.vector_load %arg5[%get3A_158, %get3A_159] {strides = array<i32>} : memref<64x128xf32, #tpu.memory_space<vmem>>, vector<1x16xf32>,
      %get3A_161 = vector.shape_cast %get3A_160 : vector<1x16xf32> to vector<16xf32>
      %broadcast_in_dim3A_162 = arith.constant 10 : i32
      %broadcast_in_dim3A_163 = vector.broadcast %broadcast_in_dim3A_162 : i32 to vector<16xi32>
      %gt3A_164 = arith.cmpf ogt, %get3A_161, %select_n3A_155 : vector<16xf32>
      %gt3A_165 = arith.cmpf ogt, %get3A_161, %select_n3A_152 : vector<16xf32>
      %select_n3A_166 = arith.select %gt3A_165, %get3A_161, %select_n3A_152 : vector<16xi1>, vector<16xf32>
      %select_n3A_167 = arith.select %gt3A_164, %select_n3A_155, %select_n3A_166 : vector<16xi1>, vector<16xf32>
      %select_n3A_168 = arith.select %gt3A_165, %broadcast_in_dim3A_163, %select_n3A_154 : vector<16xi1>, vector<16xi32>
      %select_n3A_169 = arith.select %gt3A_164, %select_n3A_156, %select_n3A_168 : vector<16xi1>, vector<16xi32>
      %select_n3A_170 = arith.select %gt3A_164, %get3A_161, %select_n3A_155 : vector<16xi1>, vector<16xf32>
      %select_n3A_171 = arith.select %gt3A_164, %broadcast_in_dim3A_163, %select_n3A_156 : vector<16xi1>, vector<16xi32>
      %get3A_172 = arith.constant 11 : i32
      %get3A_173 = arith.index_cast %get3A_172 : i32 to index
      %get3A_174 = arith.index_cast %mul3A_9 : i32 to index
      %get3A_175 = tpu.vector_load %arg5[%get3A_173, %get3A_174] {strides = array<i32>} : memref<64x128xf32, #tpu.memory_space<vmem>>, vector<1x16xf32>,
      %get3A_176 = vector.shape_cast %get3A_175 : vector<1x16xf32> to vector<16xf32>
      %broadcast_in_dim3A_177 = arith.constant 11 : i32
      %broadcast_in_dim3A_178 = vector.broadcast %broadcast_in_dim3A_177 : i32 to vector<16xi32>
      %gt3A_179 = arith.cmpf ogt, %get3A_176, %select_n3A_170 : vector<16xf32>
      %gt3A_180 = arith.cmpf ogt, %get3A_176, %select_n3A_167 : vector<16xf32>
      %select_n3A_181 = arith.select %gt3A_180, %get3A_176, %select_n3A_167 : vector<16xi1>, vector<16xf32>
      %select_n3A_182 = arith.select %gt3A_179, %select_n3A_170, %select_n3A_181 : vector<16xi1>, vector<16xf32>
      %select_n3A_183 = arith.select %gt3A_180, %broadcast_in_dim3A_178, %select_n3A_169 : vector<16xi1>, vector<16xi32>
      %select_n3A_184 = arith.select %gt3A_179, %select_n3A_171, %select_n3A_183 : vector<16xi1>, vector<16xi32>
      %select_n3A_185 = arith.select %gt3A_179, %get3A_176, %select_n3A_170 : vector<16xi1>, vector<16xf32>
      %select_n3A_186 = arith.select %gt3A_179, %broadcast_in_dim3A_178, %select_n3A_171 : vector<16xi1>, vector<16xi32>
      %get3A_187 = arith.constant 12 : i32
      %get3A_188 = arith.index_cast %get3A_187 : i32 to index
      %get3A_189 = arith.index_cast %mul3A_9 : i32 to index
      %get3A_190 = tpu.vector_load %arg5[%get3A_188, %get3A_189] {strides = array<i32>} : memref<64x128xf32, #tpu.memory_space<vmem>>, vector<1x16xf32>,
      %get3A_191 = vector.shape_cast %get3A_190 : vector<1x16xf32> to vector<16xf32>
      %broadcast_in_dim3A_192 = arith.constant 12 : i32
      %broadcast_in_dim3A_193 = vector.broadcast %broadcast_in_dim3A_192 : i32 to vector<16xi32>
      %gt3A_194 = arith.cmpf ogt, %get3A_191, %select_n3A_185 : vector<16xf32>
      %gt3A_195 = arith.cmpf ogt, %get3A_191, %select_n3A_182 : vector<16xf32>
      %select_n3A_196 = arith.select %gt3A_195, %get3A_191, %select_n3A_182 : vector<16xi1>, vector<16xf32>
      %select_n3A_197 = arith.select %gt3A_194, %select_n3A_185, %select_n3A_196 : vector<16xi1>, vector<16xf32>
      %select_n3A_198 = arith.select %gt3A_195, %broadcast_in_dim3A_193, %select_n3A_184 : vector<16xi1>, vector<16xi32>
      %select_n3A_199 = arith.select %gt3A_194, %select_n3A_186, %select_n3A_198 : vector<16xi1>, vector<16xi32>
      %select_n3A_200 = arith.select %gt3A_194, %get3A_191, %select_n3A_185 : vector<16xi1>, vector<16xf32>
      %select_n3A_201 = arith.select %gt3A_194, %broadcast_in_dim3A_193, %select_n3A_186 : vector<16xi1>, vector<16xi32>
      %get3A_202 = arith.constant 13 : i32
      %get3A_203 = arith.index_cast %get3A_202 : i32 to index
      %get3A_204 = arith.index_cast %mul3A_9 : i32 to index
      %get3A_205 = tpu.vector_load %arg5[%get3A_203, %get3A_204] {strides = array<i32>} : memref<64x128xf32, #tpu.memory_space<vmem>>, vector<1x16xf32>,
      %get3A_206 = vector.shape_cast %get3A_205 : vector<1x16xf32> to vector<16xf32>
      %broadcast_in_dim3A_207 = arith.constant 13 : i32
      %broadcast_in_dim3A_208 = vector.broadcast %broadcast_in_dim3A_207 : i32 to vector<16xi32>
      %gt3A_209 = arith.cmpf ogt, %get3A_206, %select_n3A_200 : vector<16xf32>
      %gt3A_210 = arith.cmpf ogt, %get3A_206, %select_n3A_197 : vector<16xf32>
      %select_n3A_211 = arith.select %gt3A_210, %get3A_206, %select_n3A_197 : vector<16xi1>, vector<16xf32>
      %select_n3A_212 = arith.select %gt3A_209, %select_n3A_200, %select_n3A_211 : vector<16xi1>, vector<16xf32>
      %select_n3A_213 = arith.select %gt3A_210, %broadcast_in_dim3A_208, %select_n3A_199 : vector<16xi1>, vector<16xi32>
      %select_n3A_214 = arith.select %gt3A_209, %select_n3A_201, %select_n3A_213 : vector<16xi1>, vector<16xi32>
      %select_n3A_215 = arith.select %gt3A_209, %get3A_206, %select_n3A_200 : vector<16xi1>, vector<16xf32>
      %select_n3A_216 = arith.select %gt3A_209, %broadcast_in_dim3A_208, %select_n3A_201 : vector<16xi1>, vector<16xi32>
      %get3A_217 = arith.constant 14 : i32
      %get3A_218 = arith.index_cast %get3A_217 : i32 to index
      %get3A_219 = arith.index_cast %mul3A_9 : i32 to index
      %get3A_220 = tpu.vector_load %arg5[%get3A_218, %get3A_219] {strides = array<i32>} : memref<64x128xf32, #tpu.memory_space<vmem>>, vector<1x16xf32>,
      %get3A_221 = vector.shape_cast %get3A_220 : vector<1x16xf32> to vector<16xf32>
      %broadcast_in_dim3A_222 = arith.constant 14 : i32
      %broadcast_in_dim3A_223 = vector.broadcast %broadcast_in_dim3A_222 : i32 to vector<16xi32>
      %gt3A_224 = arith.cmpf ogt, %get3A_221, %select_n3A_215 : vector<16xf32>
      %gt3A_225 = arith.cmpf ogt, %get3A_221, %select_n3A_212 : vector<16xf32>
      %select_n3A_226 = arith.select %gt3A_225, %get3A_221, %select_n3A_212 : vector<16xi1>, vector<16xf32>
      %select_n3A_227 = arith.select %gt3A_224, %select_n3A_215, %select_n3A_226 : vector<16xi1>, vector<16xf32>
      %select_n3A_228 = arith.select %gt3A_225, %broadcast_in_dim3A_223, %select_n3A_214 : vector<16xi1>, vector<16xi32>
      %select_n3A_229 = arith.select %gt3A_224, %select_n3A_216, %select_n3A_228 : vector<16xi1>, vector<16xi32>
      %select_n3A_230 = arith.select %gt3A_224, %get3A_221, %select_n3A_215 : vector<16xi1>, vector<16xf32>
      %select_n3A_231 = arith.select %gt3A_224, %broadcast_in_dim3A_223, %select_n3A_216 : vector<16xi1>, vector<16xi32>
      %get3A_232 = arith.constant 15 : i32
      %get3A_233 = arith.index_cast %get3A_232 : i32 to index
      %get3A_234 = arith.index_cast %mul3A_9 : i32 to index
      %get3A_235 = tpu.vector_load %arg5[%get3A_233, %get3A_234] {strides = array<i32>} : memref<64x128xf32, #tpu.memory_space<vmem>>, vector<1x16xf32>,
      %get3A_236 = vector.shape_cast %get3A_235 : vector<1x16xf32> to vector<16xf32>
      %broadcast_in_dim3A_237 = arith.constant 15 : i32
      %broadcast_in_dim3A_238 = vector.broadcast %broadcast_in_dim3A_237 : i32 to vector<16xi32>
      %gt3A_239 = arith.cmpf ogt, %get3A_236, %select_n3A_230 : vector<16xf32>
      %gt3A_240 = arith.cmpf ogt, %get3A_236, %select_n3A_227 : vector<16xf32>
      %select_n3A_241 = arith.select %gt3A_240, %get3A_236, %select_n3A_227 : vector<16xi1>, vector<16xf32>
      %select_n3A_242 = arith.select %gt3A_239, %select_n3A_230, %select_n3A_241 : vector<16xi1>, vector<16xf32>
      %select_n3A_243 = arith.select %gt3A_240, %broadcast_in_dim3A_238, %select_n3A_229 : vector<16xi1>, vector<16xi32>
      %select_n3A_244 = arith.select %gt3A_239, %select_n3A_231, %select_n3A_243 : vector<16xi1>, vector<16xi32>
      %select_n3A_245 = arith.select %gt3A_239, %get3A_236, %select_n3A_230 : vector<16xi1>, vector<16xf32>
      %select_n3A_246 = arith.select %gt3A_239, %broadcast_in_dim3A_238, %select_n3A_231 : vector<16xi1>, vector<16xi32>
      %get3A_247 = arith.constant 16 : i32
      %get3A_248 = arith.index_cast %get3A_247 : i32 to index
      %get3A_249 = arith.index_cast %mul3A_9 : i32 to index
      %get3A_250 = tpu.vector_load %arg5[%get3A_248, %get3A_249] {strides = array<i32>} : memref<64x128xf32, #tpu.memory_space<vmem>>, vector<1x16xf32>,
      %get3A_251 = vector.shape_cast %get3A_250 : vector<1x16xf32> to vector<16xf32>
      %broadcast_in_dim3A_252 = arith.constant 16 : i32
      %broadcast_in_dim3A_253 = vector.broadcast %broadcast_in_dim3A_252 : i32 to vector<16xi32>
      %gt3A_254 = arith.cmpf ogt, %get3A_251, %select_n3A_245 : vector<16xf32>
      %gt3A_255 = arith.cmpf ogt, %get3A_251, %select_n3A_242 : vector<16xf32>
      %select_n3A_256 = arith.select %gt3A_255, %get3A_251, %select_n3A_242 : vector<16xi1>, vector<16xf32>
      %select_n3A_257 = arith.select %gt3A_254, %select_n3A_245, %select_n3A_256 : vector<16xi1>, vector<16xf32>
      %select_n3A_258 = arith.select %gt3A_255, %broadcast_in_dim3A_253, %select_n3A_244 : vector<16xi1>, vector<16xi32>
      %select_n3A_259 = arith.select %gt3A_254, %select_n3A_246, %select_n3A_258 : vector<16xi1>, vector<16xi32>
      %select_n3A_260 = arith.select %gt3A_254, %get3A_251, %select_n3A_245 : vector<16xi1>, vector<16xf32>
      %select_n3A_261 = arith.select %gt3A_254, %broadcast_in_dim3A_253, %select_n3A_246 : vector<16xi1>, vector<16xi32>
      %get3A_262 = arith.constant 17 : i32
      %get3A_263 = arith.index_cast %get3A_262 : i32 to index
      %get3A_264 = arith.index_cast %mul3A_9 : i32 to index
      %get3A_265 = tpu.vector_load %arg5[%get3A_263, %get3A_264] {strides = array<i32>} : memref<64x128xf32, #tpu.memory_space<vmem>>, vector<1x16xf32>,
      %get3A_266 = vector.shape_cast %get3A_265 : vector<1x16xf32> to vector<16xf32>
      %broadcast_in_dim3A_267 = arith.constant 17 : i32
      %broadcast_in_dim3A_268 = vector.broadcast %broadcast_in_dim3A_267 : i32 to vector<16xi32>
      %gt3A_269 = arith.cmpf ogt, %get3A_266, %select_n3A_260 : vector<16xf32>
      %gt3A_270 = arith.cmpf ogt, %get3A_266, %select_n3A_257 : vector<16xf32>
      %select_n3A_271 = arith.select %gt3A_270, %get3A_266, %select_n3A_257 : vector<16xi1>, vector<16xf32>
      %select_n3A_272 = arith.select %gt3A_269, %select_n3A_260, %select_n3A_271 : vector<16xi1>, vector<16xf32>
      %select_n3A_273 = arith.select %gt3A_270, %broadcast_in_dim3A_268, %select_n3A_259 : vector<16xi1>, vector<16xi32>
      %select_n3A_274 = arith.select %gt3A_269, %select_n3A_261, %select_n3A_273 : vector<16xi1>, vector<16xi32>
      %select_n3A_275 = arith.select %gt3A_269, %get3A_266, %select_n3A_260 : vector<16xi1>, vector<16xf32>
      %select_n3A_276 = arith.select %gt3A_269, %broadcast_in_dim3A_268, %select_n3A_261 : vector<16xi1>, vector<16xi32>
      %get3A_277 = arith.constant 18 : i32
      %get3A_278 = arith.index_cast %get3A_277 : i32 to index
      %get3A_279 = arith.index_cast %mul3A_9 : i32 to index
      %get3A_280 = tpu.vector_load %arg5[%get3A_278, %get3A_279] {strides = array<i32>} : memref<64x128xf32, #tpu.memory_space<vmem>>, vector<1x16xf32>,
      %get3A_281 = vector.shape_cast %get3A_280 : vector<1x16xf32> to vector<16xf32>
      %broadcast_in_dim3A_282 = arith.constant 18 : i32
      %broadcast_in_dim3A_283 = vector.broadcast %broadcast_in_dim3A_282 : i32 to vector<16xi32>
      %gt3A_284 = arith.cmpf ogt, %get3A_281, %select_n3A_275 : vector<16xf32>
      %gt3A_285 = arith.cmpf ogt, %get3A_281, %select_n3A_272 : vector<16xf32>
      %select_n3A_286 = arith.select %gt3A_285, %get3A_281, %select_n3A_272 : vector<16xi1>, vector<16xf32>
      %select_n3A_287 = arith.select %gt3A_284, %select_n3A_275, %select_n3A_286 : vector<16xi1>, vector<16xf32>
      %select_n3A_288 = arith.select %gt3A_285, %broadcast_in_dim3A_283, %select_n3A_274 : vector<16xi1>, vector<16xi32>
      %select_n3A_289 = arith.select %gt3A_284, %select_n3A_276, %select_n3A_288 : vector<16xi1>, vector<16xi32>
      %select_n3A_290 = arith.select %gt3A_284, %get3A_281, %select_n3A_275 : vector<16xi1>, vector<16xf32>
      %select_n3A_291 = arith.select %gt3A_284, %broadcast_in_dim3A_283, %select_n3A_276 : vector<16xi1>, vector<16xi32>
      %get3A_292 = arith.constant 19 : i32
      %get3A_293 = arith.index_cast %get3A_292 : i32 to index
      %get3A_294 = arith.index_cast %mul3A_9 : i32 to index
      %get3A_295 = tpu.vector_load %arg5[%get3A_293, %get3A_294] {strides = array<i32>} : memref<64x128xf32, #tpu.memory_space<vmem>>, vector<1x16xf32>,
      %get3A_296 = vector.shape_cast %get3A_295 : vector<1x16xf32> to vector<16xf32>
      %broadcast_in_dim3A_297 = arith.constant 19 : i32
      %broadcast_in_dim3A_298 = vector.broadcast %broadcast_in_dim3A_297 : i32 to vector<16xi32>
      %gt3A_299 = arith.cmpf ogt, %get3A_296, %select_n3A_290 : vector<16xf32>
      %gt3A_300 = arith.cmpf ogt, %get3A_296, %select_n3A_287 : vector<16xf32>
      %select_n3A_301 = arith.select %gt3A_300, %get3A_296, %select_n3A_287 : vector<16xi1>, vector<16xf32>
      %select_n3A_302 = arith.select %gt3A_299, %select_n3A_290, %select_n3A_301 : vector<16xi1>, vector<16xf32>
      %select_n3A_303 = arith.select %gt3A_300, %broadcast_in_dim3A_298, %select_n3A_289 : vector<16xi1>, vector<16xi32>
      %select_n3A_304 = arith.select %gt3A_299, %select_n3A_291, %select_n3A_303 : vector<16xi1>, vector<16xi32>
      %select_n3A_305 = arith.select %gt3A_299, %get3A_296, %select_n3A_290 : vector<16xi1>, vector<16xf32>
      %select_n3A_306 = arith.select %gt3A_299, %broadcast_in_dim3A_298, %select_n3A_291 : vector<16xi1>, vector<16xi32>
      %get3A_307 = arith.constant 20 : i32
      %get3A_308 = arith.index_cast %get3A_307 : i32 to index
      %get3A_309 = arith.index_cast %mul3A_9 : i32 to index
      %get3A_310 = tpu.vector_load %arg5[%get3A_308, %get3A_309] {strides = array<i32>} : memref<64x128xf32, #tpu.memory_space<vmem>>, vector<1x16xf32>,
      %get3A_311 = vector.shape_cast %get3A_310 : vector<1x16xf32> to vector<16xf32>
      %broadcast_in_dim3A_312 = arith.constant 20 : i32
      %broadcast_in_dim3A_313 = vector.broadcast %broadcast_in_dim3A_312 : i32 to vector<16xi32>
      %gt3A_314 = arith.cmpf ogt, %get3A_311, %select_n3A_305 : vector<16xf32>
      %gt3A_315 = arith.cmpf ogt, %get3A_311, %select_n3A_302 : vector<16xf32>
      %select_n3A_316 = arith.select %gt3A_315, %get3A_311, %select_n3A_302 : vector<16xi1>, vector<16xf32>
      %select_n3A_317 = arith.select %gt3A_314, %select_n3A_305, %select_n3A_316 : vector<16xi1>, vector<16xf32>
      %select_n3A_318 = arith.select %gt3A_315, %broadcast_in_dim3A_313, %select_n3A_304 : vector<16xi1>, vector<16xi32>
      %select_n3A_319 = arith.select %gt3A_314, %select_n3A_306, %select_n3A_318 : vector<16xi1>, vector<16xi32>
      %select_n3A_320 = arith.select %gt3A_314, %get3A_311, %select_n3A_305 : vector<16xi1>, vector<16xf32>
      %select_n3A_321 = arith.select %gt3A_314, %broadcast_in_dim3A_313, %select_n3A_306 : vector<16xi1>, vector<16xi32>
      %get3A_322 = arith.constant 21 : i32
      %get3A_323 = arith.index_cast %get3A_322 : i32 to index
      %get3A_324 = arith.index_cast %mul3A_9 : i32 to index
      %get3A_325 = tpu.vector_load %arg5[%get3A_323, %get3A_324] {strides = array<i32>} : memref<64x128xf32, #tpu.memory_space<vmem>>, vector<1x16xf32>,
      %get3A_326 = vector.shape_cast %get3A_325 : vector<1x16xf32> to vector<16xf32>
      %broadcast_in_dim3A_327 = arith.constant 21 : i32
      %broadcast_in_dim3A_328 = vector.broadcast %broadcast_in_dim3A_327 : i32 to vector<16xi32>
      %gt3A_329 = arith.cmpf ogt, %get3A_326, %select_n3A_320 : vector<16xf32>
      %gt3A_330 = arith.cmpf ogt, %get3A_326, %select_n3A_317 : vector<16xf32>
      %select_n3A_331 = arith.select %gt3A_330, %get3A_326, %select_n3A_317 : vector<16xi1>, vector<16xf32>
      %select_n3A_332 = arith.select %gt3A_329, %select_n3A_320, %select_n3A_331 : vector<16xi1>, vector<16xf32>
      %select_n3A_333 = arith.select %gt3A_330, %broadcast_in_dim3A_328, %select_n3A_319 : vector<16xi1>, vector<16xi32>
      %select_n3A_334 = arith.select %gt3A_329, %select_n3A_321, %select_n3A_333 : vector<16xi1>, vector<16xi32>
      %select_n3A_335 = arith.select %gt3A_329, %get3A_326, %select_n3A_320 : vector<16xi1>, vector<16xf32>
      %select_n3A_336 = arith.select %gt3A_329, %broadcast_in_dim3A_328, %select_n3A_321 : vector<16xi1>, vector<16xi32>
      %get3A_337 = arith.constant 22 : i32
      %get3A_338 = arith.index_cast %get3A_337 : i32 to index
      %get3A_339 = arith.index_cast %mul3A_9 : i32 to index
      %get3A_340 = tpu.vector_load %arg5[%get3A_338, %get3A_339] {strides = array<i32>} : memref<64x128xf32, #tpu.memory_space<vmem>>, vector<1x16xf32>,
      %get3A_341 = vector.shape_cast %get3A_340 : vector<1x16xf32> to vector<16xf32>
      %broadcast_in_dim3A_342 = arith.constant 22 : i32
      %broadcast_in_dim3A_343 = vector.broadcast %broadcast_in_dim3A_342 : i32 to vector<16xi32>
      %gt3A_344 = arith.cmpf ogt, %get3A_341, %select_n3A_335 : vector<16xf32>
      %gt3A_345 = arith.cmpf ogt, %get3A_341, %select_n3A_332 : vector<16xf32>
      %select_n3A_346 = arith.select %gt3A_345, %get3A_341, %select_n3A_332 : vector<16xi1>, vector<16xf32>
      %select_n3A_347 = arith.select %gt3A_344, %select_n3A_335, %select_n3A_346 : vector<16xi1>, vector<16xf32>
      %select_n3A_348 = arith.select %gt3A_345, %broadcast_in_dim3A_343, %select_n3A_334 : vector<16xi1>, vector<16xi32>
      %select_n3A_349 = arith.select %gt3A_344, %select_n3A_336, %select_n3A_348 : vector<16xi1>, vector<16xi32>
      %select_n3A_350 = arith.select %gt3A_344, %get3A_341, %select_n3A_335 : vector<16xi1>, vector<16xf32>
      %select_n3A_351 = arith.select %gt3A_344, %broadcast_in_dim3A_343, %select_n3A_336 : vector<16xi1>, vector<16xi32>
      %get3A_352 = arith.constant 23 : i32
      %get3A_353 = arith.index_cast %get3A_352 : i32 to index
      %get3A_354 = arith.index_cast %mul3A_9 : i32 to index
      %get3A_355 = tpu.vector_load %arg5[%get3A_353, %get3A_354] {strides = array<i32>} : memref<64x128xf32, #tpu.memory_space<vmem>>, vector<1x16xf32>,
      %get3A_356 = vector.shape_cast %get3A_355 : vector<1x16xf32> to vector<16xf32>
      %broadcast_in_dim3A_357 = arith.constant 23 : i32
      %broadcast_in_dim3A_358 = vector.broadcast %broadcast_in_dim3A_357 : i32 to vector<16xi32>
      %gt3A_359 = arith.cmpf ogt, %get3A_356, %select_n3A_350 : vector<16xf32>
      %gt3A_360 = arith.cmpf ogt, %get3A_356, %select_n3A_347 : vector<16xf32>
      %select_n3A_361 = arith.select %gt3A_360, %get3A_356, %select_n3A_347 : vector<16xi1>, vector<16xf32>
      %select_n3A_362 = arith.select %gt3A_359, %select_n3A_350, %select_n3A_361 : vector<16xi1>, vector<16xf32>
      %select_n3A_363 = arith.select %gt3A_360, %broadcast_in_dim3A_358, %select_n3A_349 : vector<16xi1>, vector<16xi32>
      %select_n3A_364 = arith.select %gt3A_359, %select_n3A_351, %select_n3A_363 : vector<16xi1>, vector<16xi32>
      %select_n3A_365 = arith.select %gt3A_359, %get3A_356, %select_n3A_350 : vector<16xi1>, vector<16xf32>
      %select_n3A_366 = arith.select %gt3A_359, %broadcast_in_dim3A_358, %select_n3A_351 : vector<16xi1>, vector<16xi32>
      %get3A_367 = arith.constant 24 : i32
      %get3A_368 = arith.index_cast %get3A_367 : i32 to index
      %get3A_369 = arith.index_cast %mul3A_9 : i32 to index
      %get3A_370 = tpu.vector_load %arg5[%get3A_368, %get3A_369] {strides = array<i32>} : memref<64x128xf32, #tpu.memory_space<vmem>>, vector<1x16xf32>,
      %get3A_371 = vector.shape_cast %get3A_370 : vector<1x16xf32> to vector<16xf32>
      %broadcast_in_dim3A_372 = arith.constant 24 : i32
      %broadcast_in_dim3A_373 = vector.broadcast %broadcast_in_dim3A_372 : i32 to vector<16xi32>
      %gt3A_374 = arith.cmpf ogt, %get3A_371, %select_n3A_365 : vector<16xf32>
      %gt3A_375 = arith.cmpf ogt, %get3A_371, %select_n3A_362 : vector<16xf32>
      %select_n3A_376 = arith.select %gt3A_375, %get3A_371, %select_n3A_362 : vector<16xi1>, vector<16xf32>
      %select_n3A_377 = arith.select %gt3A_374, %select_n3A_365, %select_n3A_376 : vector<16xi1>, vector<16xf32>
      %select_n3A_378 = arith.select %gt3A_375, %broadcast_in_dim3A_373, %select_n3A_364 : vector<16xi1>, vector<16xi32>
      %select_n3A_379 = arith.select %gt3A_374, %select_n3A_366, %select_n3A_378 : vector<16xi1>, vector<16xi32>
      %select_n3A_380 = arith.select %gt3A_374, %get3A_371, %select_n3A_365 : vector<16xi1>, vector<16xf32>
      %select_n3A_381 = arith.select %gt3A_374, %broadcast_in_dim3A_373, %select_n3A_366 : vector<16xi1>, vector<16xi32>
      %get3A_382 = arith.constant 25 : i32
      %get3A_383 = arith.index_cast %get3A_382 : i32 to index
      %get3A_384 = arith.index_cast %mul3A_9 : i32 to index
      %get3A_385 = tpu.vector_load %arg5[%get3A_383, %get3A_384] {strides = array<i32>} : memref<64x128xf32, #tpu.memory_space<vmem>>, vector<1x16xf32>,
      %get3A_386 = vector.shape_cast %get3A_385 : vector<1x16xf32> to vector<16xf32>
      %broadcast_in_dim3A_387 = arith.constant 25 : i32
      %broadcast_in_dim3A_388 = vector.broadcast %broadcast_in_dim3A_387 : i32 to vector<16xi32>
      %gt3A_389 = arith.cmpf ogt, %get3A_386, %select_n3A_380 : vector<16xf32>
      %gt3A_390 = arith.cmpf ogt, %get3A_386, %select_n3A_377 : vector<16xf32>
      %select_n3A_391 = arith.select %gt3A_390, %get3A_386, %select_n3A_377 : vector<16xi1>, vector<16xf32>
      %select_n3A_392 = arith.select %gt3A_389, %select_n3A_380, %select_n3A_391 : vector<16xi1>, vector<16xf32>
      %select_n3A_393 = arith.select %gt3A_390, %broadcast_in_dim3A_388, %select_n3A_379 : vector<16xi1>, vector<16xi32>
      %select_n3A_394 = arith.select %gt3A_389, %select_n3A_381, %select_n3A_393 : vector<16xi1>, vector<16xi32>
      %select_n3A_395 = arith.select %gt3A_389, %get3A_386, %select_n3A_380 : vector<16xi1>, vector<16xf32>
      %select_n3A_396 = arith.select %gt3A_389, %broadcast_in_dim3A_388, %select_n3A_381 : vector<16xi1>, vector<16xi32>
      %get3A_397 = arith.constant 26 : i32
      %get3A_398 = arith.index_cast %get3A_397 : i32 to index
      %get3A_399 = arith.index_cast %mul3A_9 : i32 to index
      %get3A_400 = tpu.vector_load %arg5[%get3A_398, %get3A_399] {strides = array<i32>} : memref<64x128xf32, #tpu.memory_space<vmem>>, vector<1x16xf32>,
      %get3A_401 = vector.shape_cast %get3A_400 : vector<1x16xf32> to vector<16xf32>
      %broadcast_in_dim3A_402 = arith.constant 26 : i32
      %broadcast_in_dim3A_403 = vector.broadcast %broadcast_in_dim3A_402 : i32 to vector<16xi32>
      %gt3A_404 = arith.cmpf ogt, %get3A_401, %select_n3A_395 : vector<16xf32>
      %gt3A_405 = arith.cmpf ogt, %get3A_401, %select_n3A_392 : vector<16xf32>
      %select_n3A_406 = arith.select %gt3A_405, %get3A_401, %select_n3A_392 : vector<16xi1>, vector<16xf32>
      %select_n3A_407 = arith.select %gt3A_404, %select_n3A_395, %select_n3A_406 : vector<16xi1>, vector<16xf32>
      %select_n3A_408 = arith.select %gt3A_405, %broadcast_in_dim3A_403, %select_n3A_394 : vector<16xi1>, vector<16xi32>
      %select_n3A_409 = arith.select %gt3A_404, %select_n3A_396, %select_n3A_408 : vector<16xi1>, vector<16xi32>
      %select_n3A_410 = arith.select %gt3A_404, %get3A_401, %select_n3A_395 : vector<16xi1>, vector<16xf32>
      %select_n3A_411 = arith.select %gt3A_404, %broadcast_in_dim3A_403, %select_n3A_396 : vector<16xi1>, vector<16xi32>
      %get3A_412 = arith.constant 27 : i32
      %get3A_413 = arith.index_cast %get3A_412 : i32 to index
      %get3A_414 = arith.index_cast %mul3A_9 : i32 to index
      %get3A_415 = tpu.vector_load %arg5[%get3A_413, %get3A_414] {strides = array<i32>} : memref<64x128xf32, #tpu.memory_space<vmem>>, vector<1x16xf32>,
      %get3A_416 = vector.shape_cast %get3A_415 : vector<1x16xf32> to vector<16xf32>
      %broadcast_in_dim3A_417 = arith.constant 27 : i32
      %broadcast_in_dim3A_418 = vector.broadcast %broadcast_in_dim3A_417 : i32 to vector<16xi32>
      %gt3A_419 = arith.cmpf ogt, %get3A_416, %select_n3A_410 : vector<16xf32>
      %gt3A_420 = arith.cmpf ogt, %get3A_416, %select_n3A_407 : vector<16xf32>
      %select_n3A_421 = arith.select %gt3A_420, %get3A_416, %select_n3A_407 : vector<16xi1>, vector<16xf32>
      %select_n3A_422 = arith.select %gt3A_419, %select_n3A_410, %select_n3A_421 : vector<16xi1>, vector<16xf32>
      %select_n3A_423 = arith.select %gt3A_420, %broadcast_in_dim3A_418, %select_n3A_409 : vector<16xi1>, vector<16xi32>
      %select_n3A_424 = arith.select %gt3A_419, %select_n3A_411, %select_n3A_423 : vector<16xi1>, vector<16xi32>
      %select_n3A_425 = arith.select %gt3A_419, %get3A_416, %select_n3A_410 : vector<16xi1>, vector<16xf32>
      %select_n3A_426 = arith.select %gt3A_419, %broadcast_in_dim3A_418, %select_n3A_411 : vector<16xi1>, vector<16xi32>
      %get3A_427 = arith.constant 28 : i32
      %get3A_428 = arith.index_cast %get3A_427 : i32 to index
      %get3A_429 = arith.index_cast %mul3A_9 : i32 to index
      %get3A_430 = tpu.vector_load %arg5[%get3A_428, %get3A_429] {strides = array<i32>} : memref<64x128xf32, #tpu.memory_space<vmem>>, vector<1x16xf32>,
      %get3A_431 = vector.shape_cast %get3A_430 : vector<1x16xf32> to vector<16xf32>
      %broadcast_in_dim3A_432 = arith.constant 28 : i32
      %broadcast_in_dim3A_433 = vector.broadcast %broadcast_in_dim3A_432 : i32 to vector<16xi32>
      %gt3A_434 = arith.cmpf ogt, %get3A_431, %select_n3A_425 : vector<16xf32>
      %gt3A_435 = arith.cmpf ogt, %get3A_431, %select_n3A_422 : vector<16xf32>
      %select_n3A_436 = arith.select %gt3A_435, %get3A_431, %select_n3A_422 : vector<16xi1>, vector<16xf32>
      %select_n3A_437 = arith.select %gt3A_434, %select_n3A_425, %select_n3A_436 : vector<16xi1>, vector<16xf32>
      %select_n3A_438 = arith.select %gt3A_435, %broadcast_in_dim3A_433, %select_n3A_424 : vector<16xi1>, vector<16xi32>
      %select_n3A_439 = arith.select %gt3A_434, %select_n3A_426, %select_n3A_438 : vector<16xi1>, vector<16xi32>
      %select_n3A_440 = arith.select %gt3A_434, %get3A_431, %select_n3A_425 : vector<16xi1>, vector<16xf32>
      %select_n3A_441 = arith.select %gt3A_434, %broadcast_in_dim3A_433, %select_n3A_426 : vector<16xi1>, vector<16xi32>
      %get3A_442 = arith.constant 29 : i32
      %get3A_443 = arith.index_cast %get3A_442 : i32 to index
      %get3A_444 = arith.index_cast %mul3A_9 : i32 to index
      %get3A_445 = tpu.vector_load %arg5[%get3A_443, %get3A_444] {strides = array<i32>} : memref<64x128xf32, #tpu.memory_space<vmem>>, vector<1x16xf32>,
      %get3A_446 = vector.shape_cast %get3A_445 : vector<1x16xf32> to vector<16xf32>
      %broadcast_in_dim3A_447 = arith.constant 29 : i32
      %broadcast_in_dim3A_448 = vector.broadcast %broadcast_in_dim3A_447 : i32 to vector<16xi32>
      %gt3A_449 = arith.cmpf ogt, %get3A_446, %select_n3A_440 : vector<16xf32>
      %gt3A_450 = arith.cmpf ogt, %get3A_446, %select_n3A_437 : vector<16xf32>
      %select_n3A_451 = arith.select %gt3A_450, %get3A_446, %select_n3A_437 : vector<16xi1>, vector<16xf32>
      %select_n3A_452 = arith.select %gt3A_449, %select_n3A_440, %select_n3A_451 : vector<16xi1>, vector<16xf32>
      %select_n3A_453 = arith.select %gt3A_450, %broadcast_in_dim3A_448, %select_n3A_439 : vector<16xi1>, vector<16xi32>
      %select_n3A_454 = arith.select %gt3A_449, %select_n3A_441, %select_n3A_453 : vector<16xi1>, vector<16xi32>
      %select_n3A_455 = arith.select %gt3A_449, %get3A_446, %select_n3A_440 : vector<16xi1>, vector<16xf32>
      %select_n3A_456 = arith.select %gt3A_449, %broadcast_in_dim3A_448, %select_n3A_441 : vector<16xi1>, vector<16xi32>
      %get3A_457 = arith.constant 30 : i32
      %get3A_458 = arith.index_cast %get3A_457 : i32 to index
      %get3A_459 = arith.index_cast %mul3A_9 : i32 to index
      %get3A_460 = tpu.vector_load %arg5[%get3A_458, %get3A_459] {strides = array<i32>} : memref<64x128xf32, #tpu.memory_space<vmem>>, vector<1x16xf32>,
      %get3A_461 = vector.shape_cast %get3A_460 : vector<1x16xf32> to vector<16xf32>
      %broadcast_in_dim3A_462 = arith.constant 30 : i32
      %broadcast_in_dim3A_463 = vector.broadcast %broadcast_in_dim3A_462 : i32 to vector<16xi32>
      %gt3A_464 = arith.cmpf ogt, %get3A_461, %select_n3A_455 : vector<16xf32>
      %gt3A_465 = arith.cmpf ogt, %get3A_461, %select_n3A_452 : vector<16xf32>
      %select_n3A_466 = arith.select %gt3A_465, %get3A_461, %select_n3A_452 : vector<16xi1>, vector<16xf32>
      %select_n3A_467 = arith.select %gt3A_464, %select_n3A_455, %select_n3A_466 : vector<16xi1>, vector<16xf32>
      %select_n3A_468 = arith.select %gt3A_465, %broadcast_in_dim3A_463, %select_n3A_454 : vector<16xi1>, vector<16xi32>
      %select_n3A_469 = arith.select %gt3A_464, %select_n3A_456, %select_n3A_468 : vector<16xi1>, vector<16xi32>
      %select_n3A_470 = arith.select %gt3A_464, %get3A_461, %select_n3A_455 : vector<16xi1>, vector<16xf32>
      %select_n3A_471 = arith.select %gt3A_464, %broadcast_in_dim3A_463, %select_n3A_456 : vector<16xi1>, vector<16xi32>
      %get3A_472 = arith.constant 31 : i32
      %get3A_473 = arith.index_cast %get3A_472 : i32 to index
      %get3A_474 = arith.index_cast %mul3A_9 : i32 to index
      %get3A_475 = tpu.vector_load %arg5[%get3A_473, %get3A_474] {strides = array<i32>} : memref<64x128xf32, #tpu.memory_space<vmem>>, vector<1x16xf32>,
      %get3A_476 = vector.shape_cast %get3A_475 : vector<1x16xf32> to vector<16xf32>
      %broadcast_in_dim3A_477 = arith.constant 31 : i32
      %broadcast_in_dim3A_478 = vector.broadcast %broadcast_in_dim3A_477 : i32 to vector<16xi32>
      %gt3A_479 = arith.cmpf ogt, %get3A_476, %select_n3A_470 : vector<16xf32>
      %gt3A_480 = arith.cmpf ogt, %get3A_476, %select_n3A_467 : vector<16xf32>
      %select_n3A_481 = arith.select %gt3A_480, %get3A_476, %select_n3A_467 : vector<16xi1>, vector<16xf32>
      %select_n3A_482 = arith.select %gt3A_479, %select_n3A_470, %select_n3A_481 : vector<16xi1>, vector<16xf32>
      %select_n3A_483 = arith.select %gt3A_480, %broadcast_in_dim3A_478, %select_n3A_469 : vector<16xi1>, vector<16xi32>
      %select_n3A_484 = arith.select %gt3A_479, %select_n3A_471, %select_n3A_483 : vector<16xi1>, vector<16xi32>
      %select_n3A_485 = arith.select %gt3A_479, %get3A_476, %select_n3A_470 : vector<16xi1>, vector<16xf32>
      %select_n3A_486 = arith.select %gt3A_479, %broadcast_in_dim3A_478, %select_n3A_471 : vector<16xi1>, vector<16xi32>
      %get3A_487 = arith.constant 32 : i32
      %get3A_488 = arith.index_cast %get3A_487 : i32 to index
      %get3A_489 = arith.index_cast %mul3A_9 : i32 to index
      %get3A_490 = tpu.vector_load %arg5[%get3A_488, %get3A_489] {strides = array<i32>} : memref<64x128xf32, #tpu.memory_space<vmem>>, vector<1x16xf32>,
      %get3A_491 = vector.shape_cast %get3A_490 : vector<1x16xf32> to vector<16xf32>
      %broadcast_in_dim3A_492 = arith.constant 32 : i32
      %broadcast_in_dim3A_493 = vector.broadcast %broadcast_in_dim3A_492 : i32 to vector<16xi32>
      %gt3A_494 = arith.cmpf ogt, %get3A_491, %select_n3A_485 : vector<16xf32>
      %gt3A_495 = arith.cmpf ogt, %get3A_491, %select_n3A_482 : vector<16xf32>
      %select_n3A_496 = arith.select %gt3A_495, %get3A_491, %select_n3A_482 : vector<16xi1>, vector<16xf32>
      %select_n3A_497 = arith.select %gt3A_494, %select_n3A_485, %select_n3A_496 : vector<16xi1>, vector<16xf32>
      %select_n3A_498 = arith.select %gt3A_495, %broadcast_in_dim3A_493, %select_n3A_484 : vector<16xi1>, vector<16xi32>
      %select_n3A_499 = arith.select %gt3A_494, %select_n3A_486, %select_n3A_498 : vector<16xi1>, vector<16xi32>
      %select_n3A_500 = arith.select %gt3A_494, %get3A_491, %select_n3A_485 : vector<16xi1>, vector<16xf32>
      %select_n3A_501 = arith.select %gt3A_494, %broadcast_in_dim3A_493, %select_n3A_486 : vector<16xi1>, vector<16xi32>
      %get3A_502 = arith.constant 33 : i32
      %get3A_503 = arith.index_cast %get3A_502 : i32 to index
      %get3A_504 = arith.index_cast %mul3A_9 : i32 to index
      %get3A_505 = tpu.vector_load %arg5[%get3A_503, %get3A_504] {strides = array<i32>} : memref<64x128xf32, #tpu.memory_space<vmem>>, vector<1x16xf32>,
      %get3A_506 = vector.shape_cast %get3A_505 : vector<1x16xf32> to vector<16xf32>
      %broadcast_in_dim3A_507 = arith.constant 33 : i32
      %broadcast_in_dim3A_508 = vector.broadcast %broadcast_in_dim3A_507 : i32 to vector<16xi32>
      %gt3A_509 = arith.cmpf ogt, %get3A_506, %select_n3A_500 : vector<16xf32>
      %gt3A_510 = arith.cmpf ogt, %get3A_506, %select_n3A_497 : vector<16xf32>
      %select_n3A_511 = arith.select %gt3A_510, %get3A_506, %select_n3A_497 : vector<16xi1>, vector<16xf32>
      %select_n3A_512 = arith.select %gt3A_509, %select_n3A_500, %select_n3A_511 : vector<16xi1>, vector<16xf32>
      %select_n3A_513 = arith.select %gt3A_510, %broadcast_in_dim3A_508, %select_n3A_499 : vector<16xi1>, vector<16xi32>
      %select_n3A_514 = arith.select %gt3A_509, %select_n3A_501, %select_n3A_513 : vector<16xi1>, vector<16xi32>
      %select_n3A_515 = arith.select %gt3A_509, %get3A_506, %select_n3A_500 : vector<16xi1>, vector<16xf32>
      %select_n3A_516 = arith.select %gt3A_509, %broadcast_in_dim3A_508, %select_n3A_501 : vector<16xi1>, vector<16xi32>
      %get3A_517 = arith.constant 34 : i32
      %get3A_518 = arith.index_cast %get3A_517 : i32 to index
      %get3A_519 = arith.index_cast %mul3A_9 : i32 to index
      %get3A_520 = tpu.vector_load %arg5[%get3A_518, %get3A_519] {strides = array<i32>} : memref<64x128xf32, #tpu.memory_space<vmem>>, vector<1x16xf32>,
      %get3A_521 = vector.shape_cast %get3A_520 : vector<1x16xf32> to vector<16xf32>
      %broadcast_in_dim3A_522 = arith.constant 34 : i32
      %broadcast_in_dim3A_523 = vector.broadcast %broadcast_in_dim3A_522 : i32 to vector<16xi32>
      %gt3A_524 = arith.cmpf ogt, %get3A_521, %select_n3A_515 : vector<16xf32>
      %gt3A_525 = arith.cmpf ogt, %get3A_521, %select_n3A_512 : vector<16xf32>
      %select_n3A_526 = arith.select %gt3A_525, %get3A_521, %select_n3A_512 : vector<16xi1>, vector<16xf32>
      %select_n3A_527 = arith.select %gt3A_524, %select_n3A_515, %select_n3A_526 : vector<16xi1>, vector<16xf32>
      %select_n3A_528 = arith.select %gt3A_525, %broadcast_in_dim3A_523, %select_n3A_514 : vector<16xi1>, vector<16xi32>
      %select_n3A_529 = arith.select %gt3A_524, %select_n3A_516, %select_n3A_528 : vector<16xi1>, vector<16xi32>
      %select_n3A_530 = arith.select %gt3A_524, %get3A_521, %select_n3A_515 : vector<16xi1>, vector<16xf32>
      %select_n3A_531 = arith.select %gt3A_524, %broadcast_in_dim3A_523, %select_n3A_516 : vector<16xi1>, vector<16xi32>
      %get3A_532 = arith.constant 35 : i32
      %get3A_533 = arith.index_cast %get3A_532 : i32 to index
      %get3A_534 = arith.index_cast %mul3A_9 : i32 to index
      %get3A_535 = tpu.vector_load %arg5[%get3A_533, %get3A_534] {strides = array<i32>} : memref<64x128xf32, #tpu.memory_space<vmem>>, vector<1x16xf32>,
      %get3A_536 = vector.shape_cast %get3A_535 : vector<1x16xf32> to vector<16xf32>
      %broadcast_in_dim3A_537 = arith.constant 35 : i32
      %broadcast_in_dim3A_538 = vector.broadcast %broadcast_in_dim3A_537 : i32 to vector<16xi32>
      %gt3A_539 = arith.cmpf ogt, %get3A_536, %select_n3A_530 : vector<16xf32>
      %gt3A_540 = arith.cmpf ogt, %get3A_536, %select_n3A_527 : vector<16xf32>
      %select_n3A_541 = arith.select %gt3A_540, %get3A_536, %select_n3A_527 : vector<16xi1>, vector<16xf32>
      %select_n3A_542 = arith.select %gt3A_539, %select_n3A_530, %select_n3A_541 : vector<16xi1>, vector<16xf32>
      %select_n3A_543 = arith.select %gt3A_540, %broadcast_in_dim3A_538, %select_n3A_529 : vector<16xi1>, vector<16xi32>
      %select_n3A_544 = arith.select %gt3A_539, %select_n3A_531, %select_n3A_543 : vector<16xi1>, vector<16xi32>
      %select_n3A_545 = arith.select %gt3A_539, %get3A_536, %select_n3A_530 : vector<16xi1>, vector<16xf32>
      %select_n3A_546 = arith.select %gt3A_539, %broadcast_in_dim3A_538, %select_n3A_531 : vector<16xi1>, vector<16xi32>
      %get3A_547 = arith.constant 36 : i32
      %get3A_548 = arith.index_cast %get3A_547 : i32 to index
      %get3A_549 = arith.index_cast %mul3A_9 : i32 to index
      %get3A_550 = tpu.vector_load %arg5[%get3A_548, %get3A_549] {strides = array<i32>} : memref<64x128xf32, #tpu.memory_space<vmem>>, vector<1x16xf32>,
      %get3A_551 = vector.shape_cast %get3A_550 : vector<1x16xf32> to vector<16xf32>
      %broadcast_in_dim3A_552 = arith.constant 36 : i32
      %broadcast_in_dim3A_553 = vector.broadcast %broadcast_in_dim3A_552 : i32 to vector<16xi32>
      %gt3A_554 = arith.cmpf ogt, %get3A_551, %select_n3A_545 : vector<16xf32>
      %gt3A_555 = arith.cmpf ogt, %get3A_551, %select_n3A_542 : vector<16xf32>
      %select_n3A_556 = arith.select %gt3A_555, %get3A_551, %select_n3A_542 : vector<16xi1>, vector<16xf32>
      %select_n3A_557 = arith.select %gt3A_554, %select_n3A_545, %select_n3A_556 : vector<16xi1>, vector<16xf32>
      %select_n3A_558 = arith.select %gt3A_555, %broadcast_in_dim3A_553, %select_n3A_544 : vector<16xi1>, vector<16xi32>
      %select_n3A_559 = arith.select %gt3A_554, %select_n3A_546, %select_n3A_558 : vector<16xi1>, vector<16xi32>
      %select_n3A_560 = arith.select %gt3A_554, %get3A_551, %select_n3A_545 : vector<16xi1>, vector<16xf32>
      %select_n3A_561 = arith.select %gt3A_554, %broadcast_in_dim3A_553, %select_n3A_546 : vector<16xi1>, vector<16xi32>
      %get3A_562 = arith.constant 37 : i32
      %get3A_563 = arith.index_cast %get3A_562 : i32 to index
      %get3A_564 = arith.index_cast %mul3A_9 : i32 to index
      %get3A_565 = tpu.vector_load %arg5[%get3A_563, %get3A_564] {strides = array<i32>} : memref<64x128xf32, #tpu.memory_space<vmem>>, vector<1x16xf32>,
      %get3A_566 = vector.shape_cast %get3A_565 : vector<1x16xf32> to vector<16xf32>
      %broadcast_in_dim3A_567 = arith.constant 37 : i32
      %broadcast_in_dim3A_568 = vector.broadcast %broadcast_in_dim3A_567 : i32 to vector<16xi32>
      %gt3A_569 = arith.cmpf ogt, %get3A_566, %select_n3A_560 : vector<16xf32>
      %gt3A_570 = arith.cmpf ogt, %get3A_566, %select_n3A_557 : vector<16xf32>
      %select_n3A_571 = arith.select %gt3A_570, %get3A_566, %select_n3A_557 : vector<16xi1>, vector<16xf32>
      %select_n3A_572 = arith.select %gt3A_569, %select_n3A_560, %select_n3A_571 : vector<16xi1>, vector<16xf32>
      %select_n3A_573 = arith.select %gt3A_570, %broadcast_in_dim3A_568, %select_n3A_559 : vector<16xi1>, vector<16xi32>
      %select_n3A_574 = arith.select %gt3A_569, %select_n3A_561, %select_n3A_573 : vector<16xi1>, vector<16xi32>
      %select_n3A_575 = arith.select %gt3A_569, %get3A_566, %select_n3A_560 : vector<16xi1>, vector<16xf32>
      %select_n3A_576 = arith.select %gt3A_569, %broadcast_in_dim3A_568, %select_n3A_561 : vector<16xi1>, vector<16xi32>
      %get3A_577 = arith.constant 38 : i32
      %get3A_578 = arith.index_cast %get3A_577 : i32 to index
      %get3A_579 = arith.index_cast %mul3A_9 : i32 to index
      %get3A_580 = tpu.vector_load %arg5[%get3A_578, %get3A_579] {strides = array<i32>} : memref<64x128xf32, #tpu.memory_space<vmem>>, vector<1x16xf32>,
      %get3A_581 = vector.shape_cast %get3A_580 : vector<1x16xf32> to vector<16xf32>
      %broadcast_in_dim3A_582 = arith.constant 38 : i32
      %broadcast_in_dim3A_583 = vector.broadcast %broadcast_in_dim3A_582 : i32 to vector<16xi32>
      %gt3A_584 = arith.cmpf ogt, %get3A_581, %select_n3A_575 : vector<16xf32>
      %gt3A_585 = arith.cmpf ogt, %get3A_581, %select_n3A_572 : vector<16xf32>
      %select_n3A_586 = arith.select %gt3A_585, %get3A_581, %select_n3A_572 : vector<16xi1>, vector<16xf32>
      %select_n3A_587 = arith.select %gt3A_584, %select_n3A_575, %select_n3A_586 : vector<16xi1>, vector<16xf32>
      %select_n3A_588 = arith.select %gt3A_585, %broadcast_in_dim3A_583, %select_n3A_574 : vector<16xi1>, vector<16xi32>
      %select_n3A_589 = arith.select %gt3A_584, %select_n3A_576, %select_n3A_588 : vector<16xi1>, vector<16xi32>
      %select_n3A_590 = arith.select %gt3A_584, %get3A_581, %select_n3A_575 : vector<16xi1>, vector<16xf32>
      %select_n3A_591 = arith.select %gt3A_584, %broadcast_in_dim3A_583, %select_n3A_576 : vector<16xi1>, vector<16xi32>
      %get3A_592 = arith.constant 39 : i32
      %get3A_593 = arith.index_cast %get3A_592 : i32 to index
      %get3A_594 = arith.index_cast %mul3A_9 : i32 to index
      %get3A_595 = tpu.vector_load %arg5[%get3A_593, %get3A_594] {strides = array<i32>} : memref<64x128xf32, #tpu.memory_space<vmem>>, vector<1x16xf32>,
      %get3A_596 = vector.shape_cast %get3A_595 : vector<1x16xf32> to vector<16xf32>
      %broadcast_in_dim3A_597 = arith.constant 39 : i32
      %broadcast_in_dim3A_598 = vector.broadcast %broadcast_in_dim3A_597 : i32 to vector<16xi32>
      %gt3A_599 = arith.cmpf ogt, %get3A_596, %select_n3A_590 : vector<16xf32>
      %gt3A_600 = arith.cmpf ogt, %get3A_596, %select_n3A_587 : vector<16xf32>
      %select_n3A_601 = arith.select %gt3A_600, %get3A_596, %select_n3A_587 : vector<16xi1>, vector<16xf32>
      %select_n3A_602 = arith.select %gt3A_599, %select_n3A_590, %select_n3A_601 : vector<16xi1>, vector<16xf32>
      %select_n3A_603 = arith.select %gt3A_600, %broadcast_in_dim3A_598, %select_n3A_589 : vector<16xi1>, vector<16xi32>
      %select_n3A_604 = arith.select %gt3A_599, %select_n3A_591, %select_n3A_603 : vector<16xi1>, vector<16xi32>
      %select_n3A_605 = arith.select %gt3A_599, %get3A_596, %select_n3A_590 : vector<16xi1>, vector<16xf32>
      %select_n3A_606 = arith.select %gt3A_599, %broadcast_in_dim3A_598, %select_n3A_591 : vector<16xi1>, vector<16xi32>
      %get3A_607 = arith.constant 40 : i32
      %get3A_608 = arith.index_cast %get3A_607 : i32 to index
      %get3A_609 = arith.index_cast %mul3A_9 : i32 to index
      %get3A_610 = tpu.vector_load %arg5[%get3A_608, %get3A_609] {strides = array<i32>} : memref<64x128xf32, #tpu.memory_space<vmem>>, vector<1x16xf32>,
      %get3A_611 = vector.shape_cast %get3A_610 : vector<1x16xf32> to vector<16xf32>
      %broadcast_in_dim3A_612 = arith.constant 40 : i32
      %broadcast_in_dim3A_613 = vector.broadcast %broadcast_in_dim3A_612 : i32 to vector<16xi32>
      %gt3A_614 = arith.cmpf ogt, %get3A_611, %select_n3A_605 : vector<16xf32>
      %gt3A_615 = arith.cmpf ogt, %get3A_611, %select_n3A_602 : vector<16xf32>
      %select_n3A_616 = arith.select %gt3A_615, %get3A_611, %select_n3A_602 : vector<16xi1>, vector<16xf32>
      %select_n3A_617 = arith.select %gt3A_614, %select_n3A_605, %select_n3A_616 : vector<16xi1>, vector<16xf32>
      %select_n3A_618 = arith.select %gt3A_615, %broadcast_in_dim3A_613, %select_n3A_604 : vector<16xi1>, vector<16xi32>
      %select_n3A_619 = arith.select %gt3A_614, %select_n3A_606, %select_n3A_618 : vector<16xi1>, vector<16xi32>
      %select_n3A_620 = arith.select %gt3A_614, %get3A_611, %select_n3A_605 : vector<16xi1>, vector<16xf32>
      %select_n3A_621 = arith.select %gt3A_614, %broadcast_in_dim3A_613, %select_n3A_606 : vector<16xi1>, vector<16xi32>
      %get3A_622 = arith.constant 41 : i32
      %get3A_623 = arith.index_cast %get3A_622 : i32 to index
      %get3A_624 = arith.index_cast %mul3A_9 : i32 to index
      %get3A_625 = tpu.vector_load %arg5[%get3A_623, %get3A_624] {strides = array<i32>} : memref<64x128xf32, #tpu.memory_space<vmem>>, vector<1x16xf32>,
      %get3A_626 = vector.shape_cast %get3A_625 : vector<1x16xf32> to vector<16xf32>
      %broadcast_in_dim3A_627 = arith.constant 41 : i32
      %broadcast_in_dim3A_628 = vector.broadcast %broadcast_in_dim3A_627 : i32 to vector<16xi32>
      %gt3A_629 = arith.cmpf ogt, %get3A_626, %select_n3A_620 : vector<16xf32>
      %gt3A_630 = arith.cmpf ogt, %get3A_626, %select_n3A_617 : vector<16xf32>
      %select_n3A_631 = arith.select %gt3A_630, %get3A_626, %select_n3A_617 : vector<16xi1>, vector<16xf32>
      %select_n3A_632 = arith.select %gt3A_629, %select_n3A_620, %select_n3A_631 : vector<16xi1>, vector<16xf32>
      %select_n3A_633 = arith.select %gt3A_630, %broadcast_in_dim3A_628, %select_n3A_619 : vector<16xi1>, vector<16xi32>
      %select_n3A_634 = arith.select %gt3A_629, %select_n3A_621, %select_n3A_633 : vector<16xi1>, vector<16xi32>
      %select_n3A_635 = arith.select %gt3A_629, %get3A_626, %select_n3A_620 : vector<16xi1>, vector<16xf32>
      %select_n3A_636 = arith.select %gt3A_629, %broadcast_in_dim3A_628, %select_n3A_621 : vector<16xi1>, vector<16xi32>
      %get3A_637 = arith.constant 42 : i32
      %get3A_638 = arith.index_cast %get3A_637 : i32 to index
      %get3A_639 = arith.index_cast %mul3A_9 : i32 to index
      %get3A_640 = tpu.vector_load %arg5[%get3A_638, %get3A_639] {strides = array<i32>} : memref<64x128xf32, #tpu.memory_space<vmem>>, vector<1x16xf32>,
      %get3A_641 = vector.shape_cast %get3A_640 : vector<1x16xf32> to vector<16xf32>
      %broadcast_in_dim3A_642 = arith.constant 42 : i32
      %broadcast_in_dim3A_643 = vector.broadcast %broadcast_in_dim3A_642 : i32 to vector<16xi32>
      %gt3A_644 = arith.cmpf ogt, %get3A_641, %select_n3A_635 : vector<16xf32>
      %gt3A_645 = arith.cmpf ogt, %get3A_641, %select_n3A_632 : vector<16xf32>
      %select_n3A_646 = arith.select %gt3A_645, %get3A_641, %select_n3A_632 : vector<16xi1>, vector<16xf32>
      %select_n3A_647 = arith.select %gt3A_644, %select_n3A_635, %select_n3A_646 : vector<16xi1>, vector<16xf32>
      %select_n3A_648 = arith.select %gt3A_645, %broadcast_in_dim3A_643, %select_n3A_634 : vector<16xi1>, vector<16xi32>
      %select_n3A_649 = arith.select %gt3A_644, %select_n3A_636, %select_n3A_648 : vector<16xi1>, vector<16xi32>
      %select_n3A_650 = arith.select %gt3A_644, %get3A_641, %select_n3A_635 : vector<16xi1>, vector<16xf32>
      %select_n3A_651 = arith.select %gt3A_644, %broadcast_in_dim3A_643, %select_n3A_636 : vector<16xi1>, vector<16xi32>
      %get3A_652 = arith.constant 43 : i32
      %get3A_653 = arith.index_cast %get3A_652 : i32 to index
      %get3A_654 = arith.index_cast %mul3A_9 : i32 to index
      %get3A_655 = tpu.vector_load %arg5[%get3A_653, %get3A_654] {strides = array<i32>} : memref<64x128xf32, #tpu.memory_space<vmem>>, vector<1x16xf32>,
      %get3A_656 = vector.shape_cast %get3A_655 : vector<1x16xf32> to vector<16xf32>
      %broadcast_in_dim3A_657 = arith.constant 43 : i32
      %broadcast_in_dim3A_658 = vector.broadcast %broadcast_in_dim3A_657 : i32 to vector<16xi32>
      %gt3A_659 = arith.cmpf ogt, %get3A_656, %select_n3A_650 : vector<16xf32>
      %gt3A_660 = arith.cmpf ogt, %get3A_656, %select_n3A_647 : vector<16xf32>
      %select_n3A_661 = arith.select %gt3A_660, %get3A_656, %select_n3A_647 : vector<16xi1>, vector<16xf32>
      %select_n3A_662 = arith.select %gt3A_659, %select_n3A_650, %select_n3A_661 : vector<16xi1>, vector<16xf32>
      %select_n3A_663 = arith.select %gt3A_660, %broadcast_in_dim3A_658, %select_n3A_649 : vector<16xi1>, vector<16xi32>
      %select_n3A_664 = arith.select %gt3A_659, %select_n3A_651, %select_n3A_663 : vector<16xi1>, vector<16xi32>
      %select_n3A_665 = arith.select %gt3A_659, %get3A_656, %select_n3A_650 : vector<16xi1>, vector<16xf32>
      %select_n3A_666 = arith.select %gt3A_659, %broadcast_in_dim3A_658, %select_n3A_651 : vector<16xi1>, vector<16xi32>
      %get3A_667 = arith.constant 44 : i32
      %get3A_668 = arith.index_cast %get3A_667 : i32 to index
      %get3A_669 = arith.index_cast %mul3A_9 : i32 to index
      %get3A_670 = tpu.vector_load %arg5[%get3A_668, %get3A_669] {strides = array<i32>} : memref<64x128xf32, #tpu.memory_space<vmem>>, vector<1x16xf32>,
      %get3A_671 = vector.shape_cast %get3A_670 : vector<1x16xf32> to vector<16xf32>
      %broadcast_in_dim3A_672 = arith.constant 44 : i32
      %broadcast_in_dim3A_673 = vector.broadcast %broadcast_in_dim3A_672 : i32 to vector<16xi32>
      %gt3A_674 = arith.cmpf ogt, %get3A_671, %select_n3A_665 : vector<16xf32>
      %gt3A_675 = arith.cmpf ogt, %get3A_671, %select_n3A_662 : vector<16xf32>
      %select_n3A_676 = arith.select %gt3A_675, %get3A_671, %select_n3A_662 : vector<16xi1>, vector<16xf32>
      %select_n3A_677 = arith.select %gt3A_674, %select_n3A_665, %select_n3A_676 : vector<16xi1>, vector<16xf32>
      %select_n3A_678 = arith.select %gt3A_675, %broadcast_in_dim3A_673, %select_n3A_664 : vector<16xi1>, vector<16xi32>
      %select_n3A_679 = arith.select %gt3A_674, %select_n3A_666, %select_n3A_678 : vector<16xi1>, vector<16xi32>
      %select_n3A_680 = arith.select %gt3A_674, %get3A_671, %select_n3A_665 : vector<16xi1>, vector<16xf32>
      %select_n3A_681 = arith.select %gt3A_674, %broadcast_in_dim3A_673, %select_n3A_666 : vector<16xi1>, vector<16xi32>
      %get3A_682 = arith.constant 45 : i32
      %get3A_683 = arith.index_cast %get3A_682 : i32 to index
      %get3A_684 = arith.index_cast %mul3A_9 : i32 to index
      %get3A_685 = tpu.vector_load %arg5[%get3A_683, %get3A_684] {strides = array<i32>} : memref<64x128xf32, #tpu.memory_space<vmem>>, vector<1x16xf32>,
      %get3A_686 = vector.shape_cast %get3A_685 : vector<1x16xf32> to vector<16xf32>
      %broadcast_in_dim3A_687 = arith.constant 45 : i32
      %broadcast_in_dim3A_688 = vector.broadcast %broadcast_in_dim3A_687 : i32 to vector<16xi32>
      %gt3A_689 = arith.cmpf ogt, %get3A_686, %select_n3A_680 : vector<16xf32>
      %gt3A_690 = arith.cmpf ogt, %get3A_686, %select_n3A_677 : vector<16xf32>
      %select_n3A_691 = arith.select %gt3A_690, %get3A_686, %select_n3A_677 : vector<16xi1>, vector<16xf32>
      %select_n3A_692 = arith.select %gt3A_689, %select_n3A_680, %select_n3A_691 : vector<16xi1>, vector<16xf32>
      %select_n3A_693 = arith.select %gt3A_690, %broadcast_in_dim3A_688, %select_n3A_679 : vector<16xi1>, vector<16xi32>
      %select_n3A_694 = arith.select %gt3A_689, %select_n3A_681, %select_n3A_693 : vector<16xi1>, vector<16xi32>
      %select_n3A_695 = arith.select %gt3A_689, %get3A_686, %select_n3A_680 : vector<16xi1>, vector<16xf32>
      %select_n3A_696 = arith.select %gt3A_689, %broadcast_in_dim3A_688, %select_n3A_681 : vector<16xi1>, vector<16xi32>
      %get3A_697 = arith.constant 46 : i32
      %get3A_698 = arith.index_cast %get3A_697 : i32 to index
      %get3A_699 = arith.index_cast %mul3A_9 : i32 to index
      %get3A_700 = tpu.vector_load %arg5[%get3A_698, %get3A_699] {strides = array<i32>} : memref<64x128xf32, #tpu.memory_space<vmem>>, vector<1x16xf32>,
      %get3A_701 = vector.shape_cast %get3A_700 : vector<1x16xf32> to vector<16xf32>
      %broadcast_in_dim3A_702 = arith.constant 46 : i32
      %broadcast_in_dim3A_703 = vector.broadcast %broadcast_in_dim3A_702 : i32 to vector<16xi32>
      %gt3A_704 = arith.cmpf ogt, %get3A_701, %select_n3A_695 : vector<16xf32>
      %gt3A_705 = arith.cmpf ogt, %get3A_701, %select_n3A_692 : vector<16xf32>
      %select_n3A_706 = arith.select %gt3A_705, %get3A_701, %select_n3A_692 : vector<16xi1>, vector<16xf32>
      %select_n3A_707 = arith.select %gt3A_704, %select_n3A_695, %select_n3A_706 : vector<16xi1>, vector<16xf32>
      %select_n3A_708 = arith.select %gt3A_705, %broadcast_in_dim3A_703, %select_n3A_694 : vector<16xi1>, vector<16xi32>
      %select_n3A_709 = arith.select %gt3A_704, %select_n3A_696, %select_n3A_708 : vector<16xi1>, vector<16xi32>
      %select_n3A_710 = arith.select %gt3A_704, %get3A_701, %select_n3A_695 : vector<16xi1>, vector<16xf32>
      %select_n3A_711 = arith.select %gt3A_704, %broadcast_in_dim3A_703, %select_n3A_696 : vector<16xi1>, vector<16xi32>
      %get3A_712 = arith.constant 47 : i32
      %get3A_713 = arith.index_cast %get3A_712 : i32 to index
      %get3A_714 = arith.index_cast %mul3A_9 : i32 to index
      %get3A_715 = tpu.vector_load %arg5[%get3A_713, %get3A_714] {strides = array<i32>} : memref<64x128xf32, #tpu.memory_space<vmem>>, vector<1x16xf32>,
      %get3A_716 = vector.shape_cast %get3A_715 : vector<1x16xf32> to vector<16xf32>
      %broadcast_in_dim3A_717 = arith.constant 47 : i32
      %broadcast_in_dim3A_718 = vector.broadcast %broadcast_in_dim3A_717 : i32 to vector<16xi32>
      %gt3A_719 = arith.cmpf ogt, %get3A_716, %select_n3A_710 : vector<16xf32>
      %gt3A_720 = arith.cmpf ogt, %get3A_716, %select_n3A_707 : vector<16xf32>
      %select_n3A_721 = arith.select %gt3A_720, %get3A_716, %select_n3A_707 : vector<16xi1>, vector<16xf32>
      %select_n3A_722 = arith.select %gt3A_719, %select_n3A_710, %select_n3A_721 : vector<16xi1>, vector<16xf32>
      %select_n3A_723 = arith.select %gt3A_720, %broadcast_in_dim3A_718, %select_n3A_709 : vector<16xi1>, vector<16xi32>
      %select_n3A_724 = arith.select %gt3A_719, %select_n3A_711, %select_n3A_723 : vector<16xi1>, vector<16xi32>
      %select_n3A_725 = arith.select %gt3A_719, %get3A_716, %select_n3A_710 : vector<16xi1>, vector<16xf32>
      %select_n3A_726 = arith.select %gt3A_719, %broadcast_in_dim3A_718, %select_n3A_711 : vector<16xi1>, vector<16xi32>
      %get3A_727 = arith.constant 48 : i32
      %get3A_728 = arith.index_cast %get3A_727 : i32 to index
      %get3A_729 = arith.index_cast %mul3A_9 : i32 to index
      %get3A_730 = tpu.vector_load %arg5[%get3A_728, %get3A_729] {strides = array<i32>} : memref<64x128xf32, #tpu.memory_space<vmem>>, vector<1x16xf32>,
      %get3A_731 = vector.shape_cast %get3A_730 : vector<1x16xf32> to vector<16xf32>
      %broadcast_in_dim3A_732 = arith.constant 48 : i32
      %broadcast_in_dim3A_733 = vector.broadcast %broadcast_in_dim3A_732 : i32 to vector<16xi32>
      %gt3A_734 = arith.cmpf ogt, %get3A_731, %select_n3A_725 : vector<16xf32>
      %gt3A_735 = arith.cmpf ogt, %get3A_731, %select_n3A_722 : vector<16xf32>
      %select_n3A_736 = arith.select %gt3A_735, %get3A_731, %select_n3A_722 : vector<16xi1>, vector<16xf32>
      %select_n3A_737 = arith.select %gt3A_734, %select_n3A_725, %select_n3A_736 : vector<16xi1>, vector<16xf32>
      %select_n3A_738 = arith.select %gt3A_735, %broadcast_in_dim3A_733, %select_n3A_724 : vector<16xi1>, vector<16xi32>
      %select_n3A_739 = arith.select %gt3A_734, %select_n3A_726, %select_n3A_738 : vector<16xi1>, vector<16xi32>
      %select_n3A_740 = arith.select %gt3A_734, %get3A_731, %select_n3A_725 : vector<16xi1>, vector<16xf32>
      %select_n3A_741 = arith.select %gt3A_734, %broadcast_in_dim3A_733, %select_n3A_726 : vector<16xi1>, vector<16xi32>
      %get3A_742 = arith.constant 49 : i32
      %get3A_743 = arith.index_cast %get3A_742 : i32 to index
      %get3A_744 = arith.index_cast %mul3A_9 : i32 to index
      %get3A_745 = tpu.vector_load %arg5[%get3A_743, %get3A_744] {strides = array<i32>} : memref<64x128xf32, #tpu.memory_space<vmem>>, vector<1x16xf32>,
      %get3A_746 = vector.shape_cast %get3A_745 : vector<1x16xf32> to vector<16xf32>
      %broadcast_in_dim3A_747 = arith.constant 49 : i32
      %broadcast_in_dim3A_748 = vector.broadcast %broadcast_in_dim3A_747 : i32 to vector<16xi32>
      %gt3A_749 = arith.cmpf ogt, %get3A_746, %select_n3A_740 : vector<16xf32>
      %gt3A_750 = arith.cmpf ogt, %get3A_746, %select_n3A_737 : vector<16xf32>
      %select_n3A_751 = arith.select %gt3A_750, %get3A_746, %select_n3A_737 : vector<16xi1>, vector<16xf32>
      %select_n3A_752 = arith.select %gt3A_749, %select_n3A_740, %select_n3A_751 : vector<16xi1>, vector<16xf32>
      %select_n3A_753 = arith.select %gt3A_750, %broadcast_in_dim3A_748, %select_n3A_739 : vector<16xi1>, vector<16xi32>
      %select_n3A_754 = arith.select %gt3A_749, %select_n3A_741, %select_n3A_753 : vector<16xi1>, vector<16xi32>
      %select_n3A_755 = arith.select %gt3A_749, %get3A_746, %select_n3A_740 : vector<16xi1>, vector<16xf32>
      %select_n3A_756 = arith.select %gt3A_749, %broadcast_in_dim3A_748, %select_n3A_741 : vector<16xi1>, vector<16xi32>
      %get3A_757 = arith.constant 50 : i32
      %get3A_758 = arith.index_cast %get3A_757 : i32 to index
      %get3A_759 = arith.index_cast %mul3A_9 : i32 to index
      %get3A_760 = tpu.vector_load %arg5[%get3A_758, %get3A_759] {strides = array<i32>} : memref<64x128xf32, #tpu.memory_space<vmem>>, vector<1x16xf32>,
      %get3A_761 = vector.shape_cast %get3A_760 : vector<1x16xf32> to vector<16xf32>
      %broadcast_in_dim3A_762 = arith.constant 50 : i32
      %broadcast_in_dim3A_763 = vector.broadcast %broadcast_in_dim3A_762 : i32 to vector<16xi32>
      %gt3A_764 = arith.cmpf ogt, %get3A_761, %select_n3A_755 : vector<16xf32>
      %gt3A_765 = arith.cmpf ogt, %get3A_761, %select_n3A_752 : vector<16xf32>
      %select_n3A_766 = arith.select %gt3A_765, %get3A_761, %select_n3A_752 : vector<16xi1>, vector<16xf32>
      %select_n3A_767 = arith.select %gt3A_764, %select_n3A_755, %select_n3A_766 : vector<16xi1>, vector<16xf32>
      %select_n3A_768 = arith.select %gt3A_765, %broadcast_in_dim3A_763, %select_n3A_754 : vector<16xi1>, vector<16xi32>
      %select_n3A_769 = arith.select %gt3A_764, %select_n3A_756, %select_n3A_768 : vector<16xi1>, vector<16xi32>
      %select_n3A_770 = arith.select %gt3A_764, %get3A_761, %select_n3A_755 : vector<16xi1>, vector<16xf32>
      %select_n3A_771 = arith.select %gt3A_764, %broadcast_in_dim3A_763, %select_n3A_756 : vector<16xi1>, vector<16xi32>
      %get3A_772 = arith.constant 51 : i32
      %get3A_773 = arith.index_cast %get3A_772 : i32 to index
      %get3A_774 = arith.index_cast %mul3A_9 : i32 to index
      %get3A_775 = tpu.vector_load %arg5[%get3A_773, %get3A_774] {strides = array<i32>} : memref<64x128xf32, #tpu.memory_space<vmem>>, vector<1x16xf32>,
      %get3A_776 = vector.shape_cast %get3A_775 : vector<1x16xf32> to vector<16xf32>
      %broadcast_in_dim3A_777 = arith.constant 51 : i32
      %broadcast_in_dim3A_778 = vector.broadcast %broadcast_in_dim3A_777 : i32 to vector<16xi32>
      %gt3A_779 = arith.cmpf ogt, %get3A_776, %select_n3A_770 : vector<16xf32>
      %gt3A_780 = arith.cmpf ogt, %get3A_776, %select_n3A_767 : vector<16xf32>
      %select_n3A_781 = arith.select %gt3A_780, %get3A_776, %select_n3A_767 : vector<16xi1>, vector<16xf32>
      %select_n3A_782 = arith.select %gt3A_779, %select_n3A_770, %select_n3A_781 : vector<16xi1>, vector<16xf32>
      %select_n3A_783 = arith.select %gt3A_780, %broadcast_in_dim3A_778, %select_n3A_769 : vector<16xi1>, vector<16xi32>
      %select_n3A_784 = arith.select %gt3A_779, %select_n3A_771, %select_n3A_783 : vector<16xi1>, vector<16xi32>
      %select_n3A_785 = arith.select %gt3A_779, %get3A_776, %select_n3A_770 : vector<16xi1>, vector<16xf32>
      %select_n3A_786 = arith.select %gt3A_779, %broadcast_in_dim3A_778, %select_n3A_771 : vector<16xi1>, vector<16xi32>
      %get3A_787 = arith.constant 52 : i32
      %get3A_788 = arith.index_cast %get3A_787 : i32 to index
      %get3A_789 = arith.index_cast %mul3A_9 : i32 to index
      %get3A_790 = tpu.vector_load %arg5[%get3A_788, %get3A_789] {strides = array<i32>} : memref<64x128xf32, #tpu.memory_space<vmem>>, vector<1x16xf32>,
      %get3A_791 = vector.shape_cast %get3A_790 : vector<1x16xf32> to vector<16xf32>
      %broadcast_in_dim3A_792 = arith.constant 52 : i32
      %broadcast_in_dim3A_793 = vector.broadcast %broadcast_in_dim3A_792 : i32 to vector<16xi32>
      %gt3A_794 = arith.cmpf ogt, %get3A_791, %select_n3A_785 : vector<16xf32>
      %gt3A_795 = arith.cmpf ogt, %get3A_791, %select_n3A_782 : vector<16xf32>
      %select_n3A_796 = arith.select %gt3A_795, %get3A_791, %select_n3A_782 : vector<16xi1>, vector<16xf32>
      %select_n3A_797 = arith.select %gt3A_794, %select_n3A_785, %select_n3A_796 : vector<16xi1>, vector<16xf32>
      %select_n3A_798 = arith.select %gt3A_795, %broadcast_in_dim3A_793, %select_n3A_784 : vector<16xi1>, vector<16xi32>
      %select_n3A_799 = arith.select %gt3A_794, %select_n3A_786, %select_n3A_798 : vector<16xi1>, vector<16xi32>
      %select_n3A_800 = arith.select %gt3A_794, %get3A_791, %select_n3A_785 : vector<16xi1>, vector<16xf32>
      %select_n3A_801 = arith.select %gt3A_794, %broadcast_in_dim3A_793, %select_n3A_786 : vector<16xi1>, vector<16xi32>
      %get3A_802 = arith.constant 53 : i32
      %get3A_803 = arith.index_cast %get3A_802 : i32 to index
      %get3A_804 = arith.index_cast %mul3A_9 : i32 to index
      %get3A_805 = tpu.vector_load %arg5[%get3A_803, %get3A_804] {strides = array<i32>} : memref<64x128xf32, #tpu.memory_space<vmem>>, vector<1x16xf32>,
      %get3A_806 = vector.shape_cast %get3A_805 : vector<1x16xf32> to vector<16xf32>
      %broadcast_in_dim3A_807 = arith.constant 53 : i32
      %broadcast_in_dim3A_808 = vector.broadcast %broadcast_in_dim3A_807 : i32 to vector<16xi32>
      %gt3A_809 = arith.cmpf ogt, %get3A_806, %select_n3A_800 : vector<16xf32>
      %gt3A_810 = arith.cmpf ogt, %get3A_806, %select_n3A_797 : vector<16xf32>
      %select_n3A_811 = arith.select %gt3A_810, %get3A_806, %select_n3A_797 : vector<16xi1>, vector<16xf32>
      %select_n3A_812 = arith.select %gt3A_809, %select_n3A_800, %select_n3A_811 : vector<16xi1>, vector<16xf32>
      %select_n3A_813 = arith.select %gt3A_810, %broadcast_in_dim3A_808, %select_n3A_799 : vector<16xi1>, vector<16xi32>
      %select_n3A_814 = arith.select %gt3A_809, %select_n3A_801, %select_n3A_813 : vector<16xi1>, vector<16xi32>
      %select_n3A_815 = arith.select %gt3A_809, %get3A_806, %select_n3A_800 : vector<16xi1>, vector<16xf32>
      %select_n3A_816 = arith.select %gt3A_809, %broadcast_in_dim3A_808, %select_n3A_801 : vector<16xi1>, vector<16xi32>
      %get3A_817 = arith.constant 54 : i32
      %get3A_818 = arith.index_cast %get3A_817 : i32 to index
      %get3A_819 = arith.index_cast %mul3A_9 : i32 to index
      %get3A_820 = tpu.vector_load %arg5[%get3A_818, %get3A_819] {strides = array<i32>} : memref<64x128xf32, #tpu.memory_space<vmem>>, vector<1x16xf32>,
      %get3A_821 = vector.shape_cast %get3A_820 : vector<1x16xf32> to vector<16xf32>
      %broadcast_in_dim3A_822 = arith.constant 54 : i32
      %broadcast_in_dim3A_823 = vector.broadcast %broadcast_in_dim3A_822 : i32 to vector<16xi32>
      %gt3A_824 = arith.cmpf ogt, %get3A_821, %select_n3A_815 : vector<16xf32>
      %gt3A_825 = arith.cmpf ogt, %get3A_821, %select_n3A_812 : vector<16xf32>
      %select_n3A_826 = arith.select %gt3A_825, %get3A_821, %select_n3A_812 : vector<16xi1>, vector<16xf32>
      %select_n3A_827 = arith.select %gt3A_824, %select_n3A_815, %select_n3A_826 : vector<16xi1>, vector<16xf32>
      %select_n3A_828 = arith.select %gt3A_825, %broadcast_in_dim3A_823, %select_n3A_814 : vector<16xi1>, vector<16xi32>
      %select_n3A_829 = arith.select %gt3A_824, %select_n3A_816, %select_n3A_828 : vector<16xi1>, vector<16xi32>
      %select_n3A_830 = arith.select %gt3A_824, %get3A_821, %select_n3A_815 : vector<16xi1>, vector<16xf32>
      %select_n3A_831 = arith.select %gt3A_824, %broadcast_in_dim3A_823, %select_n3A_816 : vector<16xi1>, vector<16xi32>
      %get3A_832 = arith.constant 55 : i32
      %get3A_833 = arith.index_cast %get3A_832 : i32 to index
      %get3A_834 = arith.index_cast %mul3A_9 : i32 to index
      %get3A_835 = tpu.vector_load %arg5[%get3A_833, %get3A_834] {strides = array<i32>} : memref<64x128xf32, #tpu.memory_space<vmem>>, vector<1x16xf32>,
      %get3A_836 = vector.shape_cast %get3A_835 : vector<1x16xf32> to vector<16xf32>
      %broadcast_in_dim3A_837 = arith.constant 55 : i32
      %broadcast_in_dim3A_838 = vector.broadcast %broadcast_in_dim3A_837 : i32 to vector<16xi32>
      %gt3A_839 = arith.cmpf ogt, %get3A_836, %select_n3A_830 : vector<16xf32>
      %gt3A_840 = arith.cmpf ogt, %get3A_836, %select_n3A_827 : vector<16xf32>
      %select_n3A_841 = arith.select %gt3A_840, %get3A_836, %select_n3A_827 : vector<16xi1>, vector<16xf32>
      %select_n3A_842 = arith.select %gt3A_839, %select_n3A_830, %select_n3A_841 : vector<16xi1>, vector<16xf32>
      %select_n3A_843 = arith.select %gt3A_840, %broadcast_in_dim3A_838, %select_n3A_829 : vector<16xi1>, vector<16xi32>
      %select_n3A_844 = arith.select %gt3A_839, %select_n3A_831, %select_n3A_843 : vector<16xi1>, vector<16xi32>
      %select_n3A_845 = arith.select %gt3A_839, %get3A_836, %select_n3A_830 : vector<16xi1>, vector<16xf32>
      %select_n3A_846 = arith.select %gt3A_839, %broadcast_in_dim3A_838, %select_n3A_831 : vector<16xi1>, vector<16xi32>
      %get3A_847 = arith.constant 56 : i32
      %get3A_848 = arith.index_cast %get3A_847 : i32 to index
      %get3A_849 = arith.index_cast %mul3A_9 : i32 to index
      %get3A_850 = tpu.vector_load %arg5[%get3A_848, %get3A_849] {strides = array<i32>} : memref<64x128xf32, #tpu.memory_space<vmem>>, vector<1x16xf32>,
      %get3A_851 = vector.shape_cast %get3A_850 : vector<1x16xf32> to vector<16xf32>
      %broadcast_in_dim3A_852 = arith.constant 56 : i32
      %broadcast_in_dim3A_853 = vector.broadcast %broadcast_in_dim3A_852 : i32 to vector<16xi32>
      %gt3A_854 = arith.cmpf ogt, %get3A_851, %select_n3A_845 : vector<16xf32>
      %gt3A_855 = arith.cmpf ogt, %get3A_851, %select_n3A_842 : vector<16xf32>
      %select_n3A_856 = arith.select %gt3A_855, %get3A_851, %select_n3A_842 : vector<16xi1>, vector<16xf32>
      %select_n3A_857 = arith.select %gt3A_854, %select_n3A_845, %select_n3A_856 : vector<16xi1>, vector<16xf32>
      %select_n3A_858 = arith.select %gt3A_855, %broadcast_in_dim3A_853, %select_n3A_844 : vector<16xi1>, vector<16xi32>
      %select_n3A_859 = arith.select %gt3A_854, %select_n3A_846, %select_n3A_858 : vector<16xi1>, vector<16xi32>
      %select_n3A_860 = arith.select %gt3A_854, %get3A_851, %select_n3A_845 : vector<16xi1>, vector<16xf32>
      %select_n3A_861 = arith.select %gt3A_854, %broadcast_in_dim3A_853, %select_n3A_846 : vector<16xi1>, vector<16xi32>
      %get3A_862 = arith.constant 57 : i32
      %get3A_863 = arith.index_cast %get3A_862 : i32 to index
      %get3A_864 = arith.index_cast %mul3A_9 : i32 to index
      %get3A_865 = tpu.vector_load %arg5[%get3A_863, %get3A_864] {strides = array<i32>} : memref<64x128xf32, #tpu.memory_space<vmem>>, vector<1x16xf32>,
      %get3A_866 = vector.shape_cast %get3A_865 : vector<1x16xf32> to vector<16xf32>
      %broadcast_in_dim3A_867 = arith.constant 57 : i32
      %broadcast_in_dim3A_868 = vector.broadcast %broadcast_in_dim3A_867 : i32 to vector<16xi32>
      %gt3A_869 = arith.cmpf ogt, %get3A_866, %select_n3A_860 : vector<16xf32>
      %gt3A_870 = arith.cmpf ogt, %get3A_866, %select_n3A_857 : vector<16xf32>
      %select_n3A_871 = arith.select %gt3A_870, %get3A_866, %select_n3A_857 : vector<16xi1>, vector<16xf32>
      %select_n3A_872 = arith.select %gt3A_869, %select_n3A_860, %select_n3A_871 : vector<16xi1>, vector<16xf32>
      %select_n3A_873 = arith.select %gt3A_870, %broadcast_in_dim3A_868, %select_n3A_859 : vector<16xi1>, vector<16xi32>
      %select_n3A_874 = arith.select %gt3A_869, %select_n3A_861, %select_n3A_873 : vector<16xi1>, vector<16xi32>
      %select_n3A_875 = arith.select %gt3A_869, %get3A_866, %select_n3A_860 : vector<16xi1>, vector<16xf32>
      %select_n3A_876 = arith.select %gt3A_869, %broadcast_in_dim3A_868, %select_n3A_861 : vector<16xi1>, vector<16xi32>
      %get3A_877 = arith.constant 58 : i32
      %get3A_878 = arith.index_cast %get3A_877 : i32 to index
      %get3A_879 = arith.index_cast %mul3A_9 : i32 to index
      %get3A_880 = tpu.vector_load %arg5[%get3A_878, %get3A_879] {strides = array<i32>} : memref<64x128xf32, #tpu.memory_space<vmem>>, vector<1x16xf32>,
      %get3A_881 = vector.shape_cast %get3A_880 : vector<1x16xf32> to vector<16xf32>
      %broadcast_in_dim3A_882 = arith.constant 58 : i32
      %broadcast_in_dim3A_883 = vector.broadcast %broadcast_in_dim3A_882 : i32 to vector<16xi32>
      %gt3A_884 = arith.cmpf ogt, %get3A_881, %select_n3A_875 : vector<16xf32>
      %gt3A_885 = arith.cmpf ogt, %get3A_881, %select_n3A_872 : vector<16xf32>
      %select_n3A_886 = arith.select %gt3A_885, %get3A_881, %select_n3A_872 : vector<16xi1>, vector<16xf32>
      %select_n3A_887 = arith.select %gt3A_884, %select_n3A_875, %select_n3A_886 : vector<16xi1>, vector<16xf32>
      %select_n3A_888 = arith.select %gt3A_885, %broadcast_in_dim3A_883, %select_n3A_874 : vector<16xi1>, vector<16xi32>
      %select_n3A_889 = arith.select %gt3A_884, %select_n3A_876, %select_n3A_888 : vector<16xi1>, vector<16xi32>
      %select_n3A_890 = arith.select %gt3A_884, %get3A_881, %select_n3A_875 : vector<16xi1>, vector<16xf32>
      %select_n3A_891 = arith.select %gt3A_884, %broadcast_in_dim3A_883, %select_n3A_876 : vector<16xi1>, vector<16xi32>
      %get3A_892 = arith.constant 59 : i32
      %get3A_893 = arith.index_cast %get3A_892 : i32 to index
      %get3A_894 = arith.index_cast %mul3A_9 : i32 to index
      %get3A_895 = tpu.vector_load %arg5[%get3A_893, %get3A_894] {strides = array<i32>} : memref<64x128xf32, #tpu.memory_space<vmem>>, vector<1x16xf32>,
      %get3A_896 = vector.shape_cast %get3A_895 : vector<1x16xf32> to vector<16xf32>
      %broadcast_in_dim3A_897 = arith.constant 59 : i32
      %broadcast_in_dim3A_898 = vector.broadcast %broadcast_in_dim3A_897 : i32 to vector<16xi32>
      %gt3A_899 = arith.cmpf ogt, %get3A_896, %select_n3A_890 : vector<16xf32>
      %gt3A_900 = arith.cmpf ogt, %get3A_896, %select_n3A_887 : vector<16xf32>
      %select_n3A_901 = arith.select %gt3A_900, %get3A_896, %select_n3A_887 : vector<16xi1>, vector<16xf32>
      %select_n3A_902 = arith.select %gt3A_899, %select_n3A_890, %select_n3A_901 : vector<16xi1>, vector<16xf32>
      %select_n3A_903 = arith.select %gt3A_900, %broadcast_in_dim3A_898, %select_n3A_889 : vector<16xi1>, vector<16xi32>
      %select_n3A_904 = arith.select %gt3A_899, %select_n3A_891, %select_n3A_903 : vector<16xi1>, vector<16xi32>
      %select_n3A_905 = arith.select %gt3A_899, %get3A_896, %select_n3A_890 : vector<16xi1>, vector<16xf32>
      %select_n3A_906 = arith.select %gt3A_899, %broadcast_in_dim3A_898, %select_n3A_891 : vector<16xi1>, vector<16xi32>
      %get3A_907 = arith.constant 60 : i32
      %get3A_908 = arith.index_cast %get3A_907 : i32 to index
      %get3A_909 = arith.index_cast %mul3A_9 : i32 to index
      %get3A_910 = tpu.vector_load %arg5[%get3A_908, %get3A_909] {strides = array<i32>} : memref<64x128xf32, #tpu.memory_space<vmem>>, vector<1x16xf32>,
      %get3A_911 = vector.shape_cast %get3A_910 : vector<1x16xf32> to vector<16xf32>
      %broadcast_in_dim3A_912 = arith.constant 60 : i32
      %broadcast_in_dim3A_913 = vector.broadcast %broadcast_in_dim3A_912 : i32 to vector<16xi32>
      %gt3A_914 = arith.cmpf ogt, %get3A_911, %select_n3A_905 : vector<16xf32>
      %gt3A_915 = arith.cmpf ogt, %get3A_911, %select_n3A_902 : vector<16xf32>
      %select_n3A_916 = arith.select %gt3A_915, %get3A_911, %select_n3A_902 : vector<16xi1>, vector<16xf32>
      %select_n3A_917 = arith.select %gt3A_914, %select_n3A_905, %select_n3A_916 : vector<16xi1>, vector<16xf32>
      %select_n3A_918 = arith.select %gt3A_915, %broadcast_in_dim3A_913, %select_n3A_904 : vector<16xi1>, vector<16xi32>
      %select_n3A_919 = arith.select %gt3A_914, %select_n3A_906, %select_n3A_918 : vector<16xi1>, vector<16xi32>
      %select_n3A_920 = arith.select %gt3A_914, %get3A_911, %select_n3A_905 : vector<16xi1>, vector<16xf32>
      %select_n3A_921 = arith.select %gt3A_914, %broadcast_in_dim3A_913, %select_n3A_906 : vector<16xi1>, vector<16xi32>
      %get3A_922 = arith.constant 61 : i32
      %get3A_923 = arith.index_cast %get3A_922 : i32 to index
      %get3A_924 = arith.index_cast %mul3A_9 : i32 to index
      %get3A_925 = tpu.vector_load %arg5[%get3A_923, %get3A_924] {strides = array<i32>} : memref<64x128xf32, #tpu.memory_space<vmem>>, vector<1x16xf32>,
      %get3A_926 = vector.shape_cast %get3A_925 : vector<1x16xf32> to vector<16xf32>
      %broadcast_in_dim3A_927 = arith.constant 61 : i32
      %broadcast_in_dim3A_928 = vector.broadcast %broadcast_in_dim3A_927 : i32 to vector<16xi32>
      %gt3A_929 = arith.cmpf ogt, %get3A_926, %select_n3A_920 : vector<16xf32>
      %gt3A_930 = arith.cmpf ogt, %get3A_926, %select_n3A_917 : vector<16xf32>
      %select_n3A_931 = arith.select %gt3A_930, %get3A_926, %select_n3A_917 : vector<16xi1>, vector<16xf32>
      %select_n3A_932 = arith.select %gt3A_929, %select_n3A_920, %select_n3A_931 : vector<16xi1>, vector<16xf32>
      %select_n3A_933 = arith.select %gt3A_930, %broadcast_in_dim3A_928, %select_n3A_919 : vector<16xi1>, vector<16xi32>
      %select_n3A_934 = arith.select %gt3A_929, %select_n3A_921, %select_n3A_933 : vector<16xi1>, vector<16xi32>
      %select_n3A_935 = arith.select %gt3A_929, %get3A_926, %select_n3A_920 : vector<16xi1>, vector<16xf32>
      %select_n3A_936 = arith.select %gt3A_929, %broadcast_in_dim3A_928, %select_n3A_921 : vector<16xi1>, vector<16xi32>
      %get3A_937 = arith.constant 62 : i32
      %get3A_938 = arith.index_cast %get3A_937 : i32 to index
      %get3A_939 = arith.index_cast %mul3A_9 : i32 to index
      %get3A_940 = tpu.vector_load %arg5[%get3A_938, %get3A_939] {strides = array<i32>} : memref<64x128xf32, #tpu.memory_space<vmem>>, vector<1x16xf32>,
      %get3A_941 = vector.shape_cast %get3A_940 : vector<1x16xf32> to vector<16xf32>
      %broadcast_in_dim3A_942 = arith.constant 62 : i32
      %broadcast_in_dim3A_943 = vector.broadcast %broadcast_in_dim3A_942 : i32 to vector<16xi32>
      %gt3A_944 = arith.cmpf ogt, %get3A_941, %select_n3A_935 : vector<16xf32>
      %gt3A_945 = arith.cmpf ogt, %get3A_941, %select_n3A_932 : vector<16xf32>
      %select_n3A_946 = arith.select %gt3A_945, %get3A_941, %select_n3A_932 : vector<16xi1>, vector<16xf32>
      %select_n3A_947 = arith.select %gt3A_944, %select_n3A_935, %select_n3A_946 : vector<16xi1>, vector<16xf32>
      %select_n3A_948 = arith.select %gt3A_945, %broadcast_in_dim3A_943, %select_n3A_934 : vector<16xi1>, vector<16xi32>
      %select_n3A_949 = arith.select %gt3A_944, %select_n3A_936, %select_n3A_948 : vector<16xi1>, vector<16xi32>
      %select_n3A_950 = arith.select %gt3A_944, %get3A_941, %select_n3A_935 : vector<16xi1>, vector<16xf32>
      %select_n3A_951 = arith.select %gt3A_944, %broadcast_in_dim3A_943, %select_n3A_936 : vector<16xi1>, vector<16xi32>
      %get3A_952 = arith.constant 63 : i32
      %get3A_953 = arith.index_cast %get3A_952 : i32 to index
      %get3A_954 = arith.index_cast %mul3A_9 : i32 to index
      %get3A_955 = tpu.vector_load %arg5[%get3A_953, %get3A_954] {strides = array<i32>} : memref<64x128xf32, #tpu.memory_space<vmem>>, vector<1x16xf32>,
      %get3A_956 = vector.shape_cast %get3A_955 : vector<1x16xf32> to vector<16xf32>
      %broadcast_in_dim3A_957 = arith.constant 63 : i32
      %broadcast_in_dim3A_958 = vector.broadcast %broadcast_in_dim3A_957 : i32 to vector<16xi32>
      %gt3A_959 = arith.cmpf ogt, %get3A_956, %select_n3A_950 : vector<16xf32>
      %gt3A_960 = arith.cmpf ogt, %get3A_956, %select_n3A_947 : vector<16xf32>
      %select_n3A_961 = arith.select %gt3A_960, %get3A_956, %select_n3A_947 : vector<16xi1>, vector<16xf32>
      %select_n3A_962 = arith.select %gt3A_959, %select_n3A_950, %select_n3A_961 : vector<16xi1>, vector<16xf32>
      %select_n3A_963 = arith.select %gt3A_960, %broadcast_in_dim3A_958, %select_n3A_949 : vector<16xi1>, vector<16xi32>
      %select_n3A_964 = arith.select %gt3A_959, %select_n3A_951, %select_n3A_963 : vector<16xi1>, vector<16xi32>
      %select_n3A_965 = arith.select %gt3A_959, %get3A_956, %select_n3A_950 : vector<16xi1>, vector<16xf32>
      %select_n3A_966 = arith.select %gt3A_959, %broadcast_in_dim3A_958, %select_n3A_951 : vector<16xi1>, vector<16xi32>
      %sub3A = arith.subf %select_n3A_962, %select_n3A_965 : vector<16xf32>
      %exp3A = math.exp %sub3A : vector<16xf32>
      %add3A_967 = arith.constant 1.000000e+00 : f32
      %add3A_968 = vector.broadcast %add3A_967 : f32 to vector<16xf32>
      %add3A_969 = arith.addf %add3A_968, %exp3A : vector<16xf32>
      %div3A = arith.constant 1.000000e+00 : f32
      %div3A_970 = vector.broadcast %div3A : f32 to vector<16xf32>
      %div3A_971 = arith.divf %div3A_970, %add3A_969 : vector<16xf32>
      %swap3A = arith.constant 0 : index
      %swap3A_972 = tpu.vector_load %arg6[%swap3A] {strides = array<i32>} : memref<16xf32, #tpu.memory_space<vmem>>, vector<16xf32>,
      %swap3A_973 = vector.shape_cast %swap3A_972 : vector<16xf32> to vector<16xf32>
      %swap3A_974 = vector.shape_cast %div3A_971 : vector<16xf32> to vector<16xf32>
      tpu.vector_store %arg6[%swap3A], %swap3A_974 {strides = array<i32>} : memref<16xf32, #tpu.memory_space<vmem>>, vector<16xf32>,
      %sub3A_975 = arith.constant 1.000000e+00 : f32
      %sub3A_976 = vector.broadcast %sub3A_975 : f32 to vector<16xf32>
      %sub3A_977 = arith.subf %sub3A_976, %div3A_971 : vector<16xf32>
      %swap3A_978 = arith.constant 0 : index
      %swap3A_979 = tpu.vector_load %arg7[%swap3A_978] {strides = array<i32>} : memref<16xf32, #tpu.memory_space<vmem>>, vector<16xf32>,
      %swap3A_980 = vector.shape_cast %swap3A_979 : vector<16xf32> to vector<16xf32>
      %swap3A_981 = vector.shape_cast %sub3A_977 : vector<16xf32> to vector<16xf32>
      tpu.vector_store %arg7[%swap3A_978], %swap3A_981 {strides = array<i32>} : memref<16xf32, #tpu.memory_space<vmem>>, vector<16xf32>,
      %swap3A_982 = arith.constant 0 : index
      %swap3A_983 = tpu.vector_load %arg8[%swap3A_982] {strides = array<i32>} : memref<16xi32, #tpu.memory_space<vmem>>, vector<16xi32>,
      %swap3A_984 = vector.shape_cast %swap3A_983 : vector<16xi32> to vector<16xi32>
      %swap3A_985 = vector.shape_cast %select_n3A_966 : vector<16xi32> to vector<16xi32>
      tpu.vector_store %arg8[%swap3A_982], %swap3A_985 {strides = array<i32>} : memref<16xi32, #tpu.memory_space<vmem>>, vector<16xi32>,
      %swap3A_986 = arith.constant 0 : index
      %swap3A_987 = tpu.vector_load %arg9[%swap3A_986] {strides = array<i32>} : memref<16xi32, #tpu.memory_space<vmem>>, vector<16xi32>,
      %swap3A_988 = vector.shape_cast %swap3A_987 : vector<16xi32> to vector<16xi32>
      %swap3A_989 = vector.shape_cast %select_n3A_964 : vector<16xi32> to vector<16xi32>
      tpu.vector_store %arg9[%swap3A_986], %swap3A_989 {strides = array<i32>} : memref<16xi32, #tpu.memory_space<vmem>>, vector<16xi32>,
      %run_scoped3A = arith.constant 0 : i32
      "tpu.region"() ({
        %run_scoped3A_993 = tpu.sem_alloc : memref<!tpu.dma_semaphore, #tpu.memory_space<semaphore_mem>>
        %dma_start3A = tpu.memref_slice %arg3[%run_scoped3A, %mul3A_9] : memref<2x128xf32, #tpu.memory_space<hbm>> -> memref<1x16xf32, #tpu.memory_space<hbm>>
        %dma_start3A_994 = tpu.memref_squeeze %dma_start3A : memref<1x16xf32, #tpu.memory_space<hbm>> -> memref<16xf32, #tpu.memory_space<hbm>>
        %dma_start3A_995 = tpu.memref_slice %arg3[%run_scoped3A, %mul3A_9] : memref<2x128xf32, #tpu.memory_space<hbm>> -> memref<1x16xf32, #tpu.memory_space<hbm>>
        %dma_start3A_996 = tpu.memref_squeeze %dma_start3A_995 : memref<1x16xf32, #tpu.memory_space<hbm>> -> memref<16xf32, #tpu.memory_space<hbm>>
        tpu.enqueue_dma source(%arg6 : memref<16xf32, #tpu.memory_space<vmem>>) target(%dma_start3A_996 : memref<16xf32, #tpu.memory_space<hbm>>) target_semaphore(%run_scoped3A_993 : memref<!tpu.dma_semaphore, #tpu.memory_space<semaphore_mem>>)
        %dma_wait3A = tpu.memref_slice %arg3[%run_scoped3A, %mul3A_9] : memref<2x128xf32, #tpu.memory_space<hbm>> -> memref<1x16xf32, #tpu.memory_space<hbm>>
        %dma_wait3A_997 = tpu.memref_squeeze %dma_wait3A : memref<1x16xf32, #tpu.memory_space<hbm>> -> memref<16xf32, #tpu.memory_space<hbm>>
        %dma_wait3A_998 = tpu.memref_slice %arg3[%run_scoped3A, %mul3A_9] : memref<2x128xf32, #tpu.memory_space<hbm>> -> memref<1x16xf32, #tpu.memory_space<hbm>>
        %dma_wait3A_999 = tpu.memref_squeeze %dma_wait3A_998 : memref<1x16xf32, #tpu.memory_space<hbm>> -> memref<16xf32, #tpu.memory_space<hbm>>
        tpu.wait_dma2 semaphore(%run_scoped3A_993 : memref<!tpu.dma_semaphore, #tpu.memory_space<semaphore_mem>>) src(%arg6 : memref<16xf32, #tpu.memory_space<vmem>>) dst(%dma_wait3A_999 : memref<16xf32, #tpu.memory_space<hbm>>)
        tpu.yield
      }) : () -> ()
      %run_scoped3A_990 = arith.constant 1 : i32
      "tpu.region"() ({
        %run_scoped3A_993 = tpu.sem_alloc : memref<!tpu.dma_semaphore, #tpu.memory_space<semaphore_mem>>
        %dma_start3A = tpu.memref_slice %arg3[%run_scoped3A_990, %mul3A_9] : memref<2x128xf32, #tpu.memory_space<hbm>> -> memref<1x16xf32, #tpu.memory_space<hbm>>
        %dma_start3A_994 = tpu.memref_squeeze %dma_start3A : memref<1x16xf32, #tpu.memory_space<hbm>> -> memref<16xf32, #tpu.memory_space<hbm>>
        %dma_start3A_995 = tpu.memref_slice %arg3[%run_scoped3A_990, %mul3A_9] : memref<2x128xf32, #tpu.memory_space<hbm>> -> memref<1x16xf32, #tpu.memory_space<hbm>>
        %dma_start3A_996 = tpu.memref_squeeze %dma_start3A_995 : memref<1x16xf32, #tpu.memory_space<hbm>> -> memref<16xf32, #tpu.memory_space<hbm>>
        tpu.enqueue_dma source(%arg7 : memref<16xf32, #tpu.memory_space<vmem>>) target(%dma_start3A_996 : memref<16xf32, #tpu.memory_space<hbm>>) target_semaphore(%run_scoped3A_993 : memref<!tpu.dma_semaphore, #tpu.memory_space<semaphore_mem>>)
        %dma_wait3A = tpu.memref_slice %arg3[%run_scoped3A_990, %mul3A_9] : memref<2x128xf32, #tpu.memory_space<hbm>> -> memref<1x16xf32, #tpu.memory_space<hbm>>
        %dma_wait3A_997 = tpu.memref_squeeze %dma_wait3A : memref<1x16xf32, #tpu.memory_space<hbm>> -> memref<16xf32, #tpu.memory_space<hbm>>
        %dma_wait3A_998 = tpu.memref_slice %arg3[%run_scoped3A_990, %mul3A_9] : memref<2x128xf32, #tpu.memory_space<hbm>> -> memref<1x16xf32, #tpu.memory_space<hbm>>
        %dma_wait3A_999 = tpu.memref_squeeze %dma_wait3A_998 : memref<1x16xf32, #tpu.memory_space<hbm>> -> memref<16xf32, #tpu.memory_space<hbm>>
        tpu.wait_dma2 semaphore(%run_scoped3A_993 : memref<!tpu.dma_semaphore, #tpu.memory_space<semaphore_mem>>) src(%arg7 : memref<16xf32, #tpu.memory_space<vmem>>) dst(%dma_wait3A_999 : memref<16xf32, #tpu.memory_space<hbm>>)
        tpu.yield
      }) : () -> ()
      %run_scoped3A_991 = arith.constant 0 : i32
      "tpu.region"() ({
        %run_scoped3A_993 = tpu.sem_alloc : memref<!tpu.dma_semaphore, #tpu.memory_space<semaphore_mem>>
        %dma_start3A = tpu.memref_slice %arg4[%run_scoped3A_991, %mul3A_9] : memref<2x128xi32, #tpu.memory_space<hbm>> -> memref<1x16xi32, #tpu.memory_space<hbm>>
        %dma_start3A_994 = tpu.memref_squeeze %dma_start3A : memref<1x16xi32, #tpu.memory_space<hbm>> -> memref<16xi32, #tpu.memory_space<hbm>>
        %dma_start3A_995 = tpu.memref_slice %arg4[%run_scoped3A_991, %mul3A_9] : memref<2x128xi32, #tpu.memory_space<hbm>> -> memref<1x16xi32, #tpu.memory_space<hbm>>
        %dma_start3A_996 = tpu.memref_squeeze %dma_start3A_995 : memref<1x16xi32, #tpu.memory_space<hbm>> -> memref<16xi32, #tpu.memory_space<hbm>>
        tpu.enqueue_dma source(%arg8 : memref<16xi32, #tpu.memory_space<vmem>>) target(%dma_start3A_996 : memref<16xi32, #tpu.memory_space<hbm>>) target_semaphore(%run_scoped3A_993 : memref<!tpu.dma_semaphore, #tpu.memory_space<semaphore_mem>>)
        %dma_wait3A = tpu.memref_slice %arg4[%run_scoped3A_991, %mul3A_9] : memref<2x128xi32, #tpu.memory_space<hbm>> -> memref<1x16xi32, #tpu.memory_space<hbm>>
        %dma_wait3A_997 = tpu.memref_squeeze %dma_wait3A : memref<1x16xi32, #tpu.memory_space<hbm>> -> memref<16xi32, #tpu.memory_space<hbm>>
        %dma_wait3A_998 = tpu.memref_slice %arg4[%run_scoped3A_991, %mul3A_9] : memref<2x128xi32, #tpu.memory_space<hbm>> -> memref<1x16xi32, #tpu.memory_space<hbm>>
        %dma_wait3A_999 = tpu.memref_squeeze %dma_wait3A_998 : memref<1x16xi32, #tpu.memory_space<hbm>> -> memref<16xi32, #tpu.memory_space<hbm>>
        tpu.wait_dma2 semaphore(%run_scoped3A_993 : memref<!tpu.dma_semaphore, #tpu.memory_space<semaphore_mem>>) src(%arg8 : memref<16xi32, #tpu.memory_space<vmem>>) dst(%dma_wait3A_999 : memref<16xi32, #tpu.memory_space<hbm>>)
        tpu.yield
      }) : () -> ()
      %run_scoped3A_992 = arith.constant 1 : i32
      "tpu.region"() ({
        %run_scoped3A_993 = tpu.sem_alloc : memref<!tpu.dma_semaphore, #tpu.memory_space<semaphore_mem>>
        %dma_start3A = tpu.memref_slice %arg4[%run_scoped3A_992, %mul3A_9] : memref<2x128xi32, #tpu.memory_space<hbm>> -> memref<1x16xi32, #tpu.memory_space<hbm>>
        %dma_start3A_994 = tpu.memref_squeeze %dma_start3A : memref<1x16xi32, #tpu.memory_space<hbm>> -> memref<16xi32, #tpu.memory_space<hbm>>
        %dma_start3A_995 = tpu.memref_slice %arg4[%run_scoped3A_992, %mul3A_9] : memref<2x128xi32, #tpu.memory_space<hbm>> -> memref<1x16xi32, #tpu.memory_space<hbm>>
        %dma_start3A_996 = tpu.memref_squeeze %dma_start3A_995 : memref<1x16xi32, #tpu.memory_space<hbm>> -> memref<16xi32, #tpu.memory_space<hbm>>
        tpu.enqueue_dma source(%arg9 : memref<16xi32, #tpu.memory_space<vmem>>) target(%dma_start3A_996 : memref<16xi32, #tpu.memory_space<hbm>>) target_semaphore(%run_scoped3A_993 : memref<!tpu.dma_semaphore, #tpu.memory_space<semaphore_mem>>)
        %dma_wait3A = tpu.memref_slice %arg4[%run_scoped3A_992, %mul3A_9] : memref<2x128xi32, #tpu.memory_space<hbm>> -> memref<1x16xi32, #tpu.memory_space<hbm>>
        %dma_wait3A_997 = tpu.memref_squeeze %dma_wait3A : memref<1x16xi32, #tpu.memory_space<hbm>> -> memref<16xi32, #tpu.memory_space<hbm>>
        %dma_wait3A_998 = tpu.memref_slice %arg4[%run_scoped3A_992, %mul3A_9] : memref<2x128xi32, #tpu.memory_space<hbm>> -> memref<1x16xi32, #tpu.memory_space<hbm>>
        %dma_wait3A_999 = tpu.memref_squeeze %dma_wait3A_998 : memref<1x16xi32, #tpu.memory_space<hbm>> -> memref<16xi32, #tpu.memory_space<hbm>>
        tpu.wait_dma2 semaphore(%run_scoped3A_993 : memref<!tpu.dma_semaphore, #tpu.memory_space<semaphore_mem>>) src(%arg9 : memref<16xi32, #tpu.memory_space<vmem>>) dst(%dma_wait3A_999 : memref<16xi32, #tpu.memory_space<hbm>>)
        tpu.yield
      }) : () -> ()
    } else {
    }
    return
  }
}

module attributes {stable_mosaic.version = 14 : i64} {
  func.func @_router_body(%arg0: memref<128x1024xf32, #tpu.memory_space<vmem>>, %arg1: memref<64x1024xf32, #tpu.memory_space<vmem>>, %arg2: memref<64x128xf32, #tpu.memory_space<vmem>>) attributes {dimension_semantics = [], scalar_prefetch = 0 : i64, scratch_operands = 0 : i64, tpu.core_type = #tpu.core_type<tc>} {
    %get3A = arith.constant 0 : index
    %get3A_0 = arith.constant 0 : index
    %get3A_1 = vector.load %arg1[%get3A, %get3A_0] : memref<64x1024xf32, #tpu.memory_space<vmem>>, vector<64x1024xf32>
    %get3A_2 = arith.constant 0 : index
    %get3A_3 = arith.constant 0 : index
    %get3A_4 = vector.load %arg0[%get3A_2, %get3A_3] : memref<128x1024xf32, #tpu.memory_space<vmem>>, vector<128x1024xf32>
    %dot_general3A = arith.constant dense<0.000000e+00> : vector<64x128xf32>
    %dot_general3A_5 = tpu.matmul %get3A_1, %get3A_4, %dot_general3A {dimension_numbers = #tpu.dot_dimension_numbers<[1], [1], [0], [0], [0, 0, 1, 0], [], []>, precision = #tpu.contract_precision<fp32>, transpose_lhs_hint = false} : vector<64x1024xf32>, vector<128x1024xf32>, vector<64x128xf32> -> vector<64x128xf32>
    %swap3A = arith.constant 0 : index
    %swap3A_6 = arith.constant 0 : index
    %swap3A_7 = vector.load %arg2[%swap3A, %swap3A_6] : memref<64x128xf32, #tpu.memory_space<vmem>>, vector<64x128xf32>
    tpu.vector_store %arg2[%swap3A, %swap3A_6], %dot_general3A_5 {strides = array<i32>} : memref<64x128xf32, #tpu.memory_space<vmem>>, vector<64x128xf32>,
    return
  }
}

module attributes {stable_mosaic.version = 14 : i64} {
  func.func @_moe_body(%arg0: i32, %arg1: memref<128x1024xf32, #tpu.memory_space<vmem>>, %arg2: memref<2x1024x1024xf32, #tpu.memory_space<vmem>>, %arg3: memref<2x1024x512xf32, #tpu.memory_space<vmem>>, %arg4: memref<2x128xf32, #tpu.memory_space<vmem>>, %arg5: memref<2x128xi32, #tpu.memory_space<vmem>>, %arg6: memref<128x1024xf32, #tpu.memory_space<vmem>>, %arg7: memref<128x1024xbf16, #tpu.memory_space<vmem>>) attributes {dimension_semantics = [#tpu.dimension_semantics<arbitrary>], iteration_bounds = array<i64: 32>, scalar_prefetch = 0 : i64, scratch_operands = 1 : i64, tpu.core_type = #tpu.core_type<tc>, window_params = [{pipeline_mode = #tpu.pipeline_mode<synchronous>, transform_indices = @transform_0, window_bounds = array<i64: 128, 1024>}, {transform_indices = @transform_1, window_bounds = array<i64: 2, 1024, 1024>}, {transform_indices = @transform_2, window_bounds = array<i64: 2, 1024, 512>}, {pipeline_mode = #tpu.pipeline_mode<synchronous>, transform_indices = @transform_3, window_bounds = array<i64: 2, 128>}, {pipeline_mode = #tpu.pipeline_mode<synchronous>, transform_indices = @transform_4, window_bounds = array<i64: 2, 128>}, {pipeline_mode = #tpu.pipeline_mode<synchronous>, transform_indices = @transform_5, window_bounds = array<i64: 128, 1024>}]} {
    %eq3A = arith.constant 0 : i32
    %eq3A_0 = arith.cmpi eq, %arg0, %eq3A : i32
    %convert_element_type3A = arith.extui %eq3A_0 : i1 to i32
    %cond3A = arith.constant 0 : i32
    %cond3A_1 = arith.cmpi ne, %convert_element_type3A, %cond3A : i32
    scf.if %cond3A_1 {
      %get3A_112 = arith.constant 0 : index
      %get3A_113 = arith.constant 0 : index
      %get3A_114 = vector.load %arg1[%get3A_112, %get3A_113] : memref<128x1024xf32, #tpu.memory_space<vmem>>, vector<128x1024xf32>
      %convert_element_type3A_115 = arith.truncf %get3A_114 : vector<128x1024xf32> to vector<128x1024xbf16>
      %swap3A = arith.constant 0 : index
      %swap3A_116 = arith.constant 0 : index
      %swap3A_117 = vector.load %arg7[%swap3A, %swap3A_116] : memref<128x1024xbf16, #tpu.memory_space<vmem>>, vector<128x1024xbf16>
      tpu.vector_store %arg7[%swap3A, %swap3A_116], %convert_element_type3A_115 {strides = array<i32>} : memref<128x1024xbf16, #tpu.memory_space<vmem>>, vector<128x1024xbf16>,
    } else {
    }
    %get3A = arith.constant 0 : index
    %get3A_2 = arith.constant 0 : index
    %get3A_3 = vector.load %arg7[%get3A, %get3A_2] : memref<128x1024xbf16, #tpu.memory_space<vmem>>, vector<128x1024xbf16>
    %broadcast_in_dim3A = arith.constant 0.000000e+00 : f32
    %broadcast_in_dim3A_4 = vector.broadcast %broadcast_in_dim3A : f32 to vector<128x1024xf32>
    %get3A_5 = arith.constant 0 : index
    %get3A_6 = arith.constant 0 : index
    %get3A_7 = arith.constant 0 : index
    %get3A_8 = vector.load %arg2[%get3A_5, %get3A_6, %get3A_7] : memref<2x1024x1024xf32, #tpu.memory_space<vmem>>, vector<1x1024x1024xf32>
    %get3A_9 = vector.shape_cast %get3A_8 : vector<1x1024x1024xf32> to vector<1024x1024xf32>
    %convert_element_type3A_10 = arith.truncf %get3A_9 : vector<1024x1024xf32> to vector<1024x1024xbf16>
    %slice3A = vector.extract_strided_slice %convert_element_type3A_10 {offsets = [0, 0], sizes = [512, 1024], strides = [1, 1]} : vector<1024x1024xbf16> to vector<512x1024xbf16>
    %dot_general3A = arith.constant dense<0.000000e+00> : vector<128x512xf32>
    %dot_general3A_11 = tpu.matmul %get3A_3, %slice3A, %dot_general3A {dimension_numbers = #tpu.dot_dimension_numbers<[1], [1], [0], [0], [0, 0, 1, 0], [], []>, transpose_lhs_hint = false} : vector<128x1024xbf16>, vector<512x1024xbf16>, vector<128x512xf32> -> vector<128x512xf32>
    %slice3A_12 = vector.extract_strided_slice %convert_element_type3A_10 {offsets = [512, 0], sizes = [512, 1024], strides = [1, 1]} : vector<1024x1024xbf16> to vector<512x1024xbf16>
    %dot_general3A_13 = arith.constant dense<0.000000e+00> : vector<128x512xf32>
    %dot_general3A_14 = tpu.matmul %get3A_3, %slice3A_12, %dot_general3A_13 {dimension_numbers = #tpu.dot_dimension_numbers<[1], [1], [0], [0], [0, 0, 1, 0], [], []>, transpose_lhs_hint = false} : vector<128x1024xbf16>, vector<512x1024xbf16>, vector<128x512xf32> -> vector<128x512xf32>
    %logistic3A = arith.negf %dot_general3A_11 : vector<128x512xf32>
    %logistic3A_15 = math.exp %logistic3A : vector<128x512xf32>
    %logistic3A_16 = arith.constant 1.000000e+00 : f32
    %logistic3A_17 = vector.broadcast %logistic3A_16 : f32 to vector<128x512xf32>
    %logistic3A_18 = arith.addf %logistic3A_17, %logistic3A_15 : vector<128x512xf32>
    %logistic3A_19 = arith.divf %logistic3A_17, %logistic3A_18 : vector<128x512xf32>
    %mul3A = arith.mulf %dot_general3A_11, %logistic3A_19 : vector<128x512xf32>
    %mul3A_20 = arith.mulf %mul3A, %dot_general3A_14 : vector<128x512xf32>
    %convert_element_type3A_21 = arith.truncf %mul3A_20 : vector<128x512xf32> to vector<128x512xbf16>
    %get3A_22 = arith.constant 0 : index
    %get3A_23 = arith.constant 0 : index
    %get3A_24 = arith.constant 0 : index
    %get3A_25 = vector.load %arg3[%get3A_22, %get3A_23, %get3A_24] : memref<2x1024x512xf32, #tpu.memory_space<vmem>>, vector<1x1024x512xf32>
    %get3A_26 = vector.shape_cast %get3A_25 : vector<1x1024x512xf32> to vector<1024x512xf32>
    %convert_element_type3A_27 = arith.truncf %get3A_26 : vector<1024x512xf32> to vector<1024x512xbf16>
    %dot_general3A_28 = arith.constant dense<0.000000e+00> : vector<128x1024xf32>
    %dot_general3A_29 = tpu.matmul %convert_element_type3A_21, %convert_element_type3A_27, %dot_general3A_28 {dimension_numbers = #tpu.dot_dimension_numbers<[1], [1], [0], [0], [0, 0, 1, 0], [], []>, transpose_lhs_hint = false} : vector<128x512xbf16>, vector<1024x512xbf16>, vector<128x1024xf32> -> vector<128x1024xf32>
    %mul3A_30 = arith.constant 2 : i32
    %mul3A_31 = arith.muli %arg0, %mul3A_30 : i32
    %add3A = arith.constant 0 : i32
    %add3A_32 = arith.addi %mul3A_31, %add3A : i32
    %get3A_33 = arith.constant 0 : index
    %get3A_34 = arith.constant 0 : index
    %get3A_35 = vector.load %arg5[%get3A_33, %get3A_34] : memref<2x128xi32, #tpu.memory_space<vmem>>, vector<2x128xi32>
    %eq3A_36 = vector.broadcast %add3A_32 : i32 to vector<2x128xi32>
    %eq3A_37 = arith.cmpi eq, %get3A_35, %eq3A_36 : vector<2x128xi32>
    %get3A_38 = arith.constant 0 : index
    %get3A_39 = arith.constant 0 : index
    %get3A_40 = vector.load %arg4[%get3A_38, %get3A_39] : memref<2x128xf32, #tpu.memory_space<vmem>>, vector<2x128xf32>
    %jit3A = arith.constant 0.000000e+00 : f32
    %broadcast_in_dim3A_41 = vector.broadcast %jit3A : f32 to vector<2x128xf32>
    %select_n3A = arith.select %eq3A_37, %get3A_40, %broadcast_in_dim3A_41 : vector<2x128xi1>, vector<2x128xf32>
    %broadcast_in_dim3A_42 = arith.constant 0.000000e+00 : f32
    %broadcast_in_dim3A_43 = vector.broadcast %broadcast_in_dim3A_42 : f32 to vector<6x128xf32>
    %concatenate3A = tpu.concatenate %select_n3A, %broadcast_in_dim3A_43 in 0 : vector<2x128xf32>, vector<6x128xf32> -> vector<8x128xf32>
    %transpose3A = tpu.transpose %concatenate3A, [1, 0] : vector<8x128xf32> -> vector<128x8xf32>
    %reduce_sum3A = arith.constant dense<0.000000e+00> : vector<128xf32>
    %reduce_sum3A_44 = vector.multi_reduction <add>, %transpose3A, %reduce_sum3A [1] : vector<128x8xf32> to vector<128xf32>
    %broadcast_in_dim3A_45 = vector.shape_cast %reduce_sum3A_44 : vector<128xf32> to vector<128x1xf32>
    %mul3A_46 = vector.broadcast %broadcast_in_dim3A_45 : vector<128x1xf32> to vector<128x1024xf32>
    %mul3A_47 = arith.mulf %dot_general3A_29, %mul3A_46 : vector<128x1024xf32>
    %add3A_48 = arith.addf %broadcast_in_dim3A_4, %mul3A_47 : vector<128x1024xf32>
    %get3A_49 = arith.constant 1 : index
    %get3A_50 = arith.constant 0 : index
    %get3A_51 = arith.constant 0 : index
    %get3A_52 = vector.load %arg2[%get3A_49, %get3A_50, %get3A_51] : memref<2x1024x1024xf32, #tpu.memory_space<vmem>>, vector<1x1024x1024xf32>
    %get3A_53 = vector.shape_cast %get3A_52 : vector<1x1024x1024xf32> to vector<1024x1024xf32>
    %convert_element_type3A_54 = arith.truncf %get3A_53 : vector<1024x1024xf32> to vector<1024x1024xbf16>
    %slice3A_55 = vector.extract_strided_slice %convert_element_type3A_54 {offsets = [0, 0], sizes = [512, 1024], strides = [1, 1]} : vector<1024x1024xbf16> to vector<512x1024xbf16>
    %dot_general3A_56 = arith.constant dense<0.000000e+00> : vector<128x512xf32>
    %dot_general3A_57 = tpu.matmul %get3A_3, %slice3A_55, %dot_general3A_56 {dimension_numbers = #tpu.dot_dimension_numbers<[1], [1], [0], [0], [0, 0, 1, 0], [], []>, transpose_lhs_hint = false} : vector<128x1024xbf16>, vector<512x1024xbf16>, vector<128x512xf32> -> vector<128x512xf32>
    %slice3A_58 = vector.extract_strided_slice %convert_element_type3A_54 {offsets = [512, 0], sizes = [512, 1024], strides = [1, 1]} : vector<1024x1024xbf16> to vector<512x1024xbf16>
    %dot_general3A_59 = arith.constant dense<0.000000e+00> : vector<128x512xf32>
    %dot_general3A_60 = tpu.matmul %get3A_3, %slice3A_58, %dot_general3A_59 {dimension_numbers = #tpu.dot_dimension_numbers<[1], [1], [0], [0], [0, 0, 1, 0], [], []>, transpose_lhs_hint = false} : vector<128x1024xbf16>, vector<512x1024xbf16>, vector<128x512xf32> -> vector<128x512xf32>
    %logistic3A_61 = arith.negf %dot_general3A_57 : vector<128x512xf32>
    %logistic3A_62 = math.exp %logistic3A_61 : vector<128x512xf32>
    %logistic3A_63 = arith.constant 1.000000e+00 : f32
    %logistic3A_64 = vector.broadcast %logistic3A_63 : f32 to vector<128x512xf32>
    %logistic3A_65 = arith.addf %logistic3A_64, %logistic3A_62 : vector<128x512xf32>
    %logistic3A_66 = arith.divf %logistic3A_64, %logistic3A_65 : vector<128x512xf32>
    %mul3A_67 = arith.mulf %dot_general3A_57, %logistic3A_66 : vector<128x512xf32>
    %mul3A_68 = arith.mulf %mul3A_67, %dot_general3A_60 : vector<128x512xf32>
    %convert_element_type3A_69 = arith.truncf %mul3A_68 : vector<128x512xf32> to vector<128x512xbf16>
    %get3A_70 = arith.constant 1 : index
    %get3A_71 = arith.constant 0 : index
    %get3A_72 = arith.constant 0 : index
    %get3A_73 = vector.load %arg3[%get3A_70, %get3A_71, %get3A_72] : memref<2x1024x512xf32, #tpu.memory_space<vmem>>, vector<1x1024x512xf32>
    %get3A_74 = vector.shape_cast %get3A_73 : vector<1x1024x512xf32> to vector<1024x512xf32>
    %convert_element_type3A_75 = arith.truncf %get3A_74 : vector<1024x512xf32> to vector<1024x512xbf16>
    %dot_general3A_76 = arith.constant dense<0.000000e+00> : vector<128x1024xf32>
    %dot_general3A_77 = tpu.matmul %convert_element_type3A_69, %convert_element_type3A_75, %dot_general3A_76 {dimension_numbers = #tpu.dot_dimension_numbers<[1], [1], [0], [0], [0, 0, 1, 0], [], []>, transpose_lhs_hint = false} : vector<128x512xbf16>, vector<1024x512xbf16>, vector<128x1024xf32> -> vector<128x1024xf32>
    %mul3A_78 = arith.constant 2 : i32
    %mul3A_79 = arith.muli %arg0, %mul3A_78 : i32
    %add3A_80 = arith.constant 1 : i32
    %add3A_81 = arith.addi %mul3A_79, %add3A_80 : i32
    %get3A_82 = arith.constant 0 : index
    %get3A_83 = arith.constant 0 : index
    %get3A_84 = vector.load %arg5[%get3A_82, %get3A_83] : memref<2x128xi32, #tpu.memory_space<vmem>>, vector<2x128xi32>
    %eq3A_85 = vector.broadcast %add3A_81 : i32 to vector<2x128xi32>
    %eq3A_86 = arith.cmpi eq, %get3A_84, %eq3A_85 : vector<2x128xi32>
    %get3A_87 = arith.constant 0 : index
    %get3A_88 = arith.constant 0 : index
    %get3A_89 = vector.load %arg4[%get3A_87, %get3A_88] : memref<2x128xf32, #tpu.memory_space<vmem>>, vector<2x128xf32>
    %jit3A_90 = arith.constant 0.000000e+00 : f32
    %broadcast_in_dim3A_91 = vector.broadcast %jit3A_90 : f32 to vector<2x128xf32>
    %select_n3A_92 = arith.select %eq3A_86, %get3A_89, %broadcast_in_dim3A_91 : vector<2x128xi1>, vector<2x128xf32>
    %broadcast_in_dim3A_93 = arith.constant 0.000000e+00 : f32
    %broadcast_in_dim3A_94 = vector.broadcast %broadcast_in_dim3A_93 : f32 to vector<6x128xf32>
    %concatenate3A_95 = tpu.concatenate %select_n3A_92, %broadcast_in_dim3A_94 in 0 : vector<2x128xf32>, vector<6x128xf32> -> vector<8x128xf32>
    %transpose3A_96 = tpu.transpose %concatenate3A_95, [1, 0] : vector<8x128xf32> -> vector<128x8xf32>
    %reduce_sum3A_97 = arith.constant dense<0.000000e+00> : vector<128xf32>
    %reduce_sum3A_98 = vector.multi_reduction <add>, %transpose3A_96, %reduce_sum3A_97 [1] : vector<128x8xf32> to vector<128xf32>
    %broadcast_in_dim3A_99 = vector.shape_cast %reduce_sum3A_98 : vector<128xf32> to vector<128x1xf32>
    %mul3A_100 = vector.broadcast %broadcast_in_dim3A_99 : vector<128x1xf32> to vector<128x1024xf32>
    %mul3A_101 = arith.mulf %dot_general3A_77, %mul3A_100 : vector<128x1024xf32>
    %add3A_102 = arith.addf %add3A_48, %mul3A_101 : vector<128x1024xf32>
    %eq3A_103 = arith.constant 0 : i32
    %eq3A_104 = arith.cmpi eq, %arg0, %eq3A_103 : i32
    %convert_element_type3A_105 = arith.extui %eq3A_104 : i1 to i32
    %cond3A_106 = arith.constant 0 : i32
    %cond3A_107 = arith.cmpi ne, %convert_element_type3A_105, %cond3A_106 : i32
    scf.if %cond3A_107 {
      %swap3A = arith.constant 0 : index
      %swap3A_112 = arith.constant 0 : index
      %swap3A_113 = vector.load %arg6[%swap3A, %swap3A_112] : memref<128x1024xf32, #tpu.memory_space<vmem>>, vector<128x1024xf32>
      tpu.vector_store %arg6[%swap3A, %swap3A_112], %add3A_102 {strides = array<i32>} : memref<128x1024xf32, #tpu.memory_space<vmem>>, vector<128x1024xf32>,
    } else {
    }
    %gt3A = arith.constant 0 : i32
    %gt3A_108 = arith.cmpi sgt, %arg0, %gt3A : i32
    %convert_element_type3A_109 = arith.extui %gt3A_108 : i1 to i32
    %cond3A_110 = arith.constant 0 : i32
    %cond3A_111 = arith.cmpi ne, %convert_element_type3A_109, %cond3A_110 : i32
    scf.if %cond3A_111 {
      %get3A_112 = arith.constant 0 : index
      %get3A_113 = arith.constant 0 : index
      %get3A_114 = vector.load %arg6[%get3A_112, %get3A_113] : memref<128x1024xf32, #tpu.memory_space<vmem>>, vector<128x1024xf32>
      %add3A_115 = arith.addf %get3A_114, %add3A_102 : vector<128x1024xf32>
      %swap3A = arith.constant 0 : index
      %swap3A_116 = arith.constant 0 : index
      %swap3A_117 = vector.load %arg6[%swap3A, %swap3A_116] : memref<128x1024xf32, #tpu.memory_space<vmem>>, vector<128x1024xf32>
      tpu.vector_store %arg6[%swap3A, %swap3A_116], %add3A_115 {strides = array<i32>} : memref<128x1024xf32, #tpu.memory_space<vmem>>, vector<128x1024xf32>,
    } else {
    }
    return
  }
  func.func @transform_0(%arg0: i32) -> (i32, i32) {
    %c0_i32 = arith.constant 0 : i32
    %c0_i32_0 = arith.constant 0 : i32
    %c0_i32_1 = arith.constant 0 : i32
    return %c0_i32, %c0_i32_0 : i32, i32
  }
  func.func @transform_1(%arg0: i32) -> (i32, i32, i32) {
    %c0_i32 = arith.constant 0 : i32
    %c0_i32_0 = arith.constant 0 : i32
    %c0_i32_1 = arith.constant 0 : i32
    return %arg0, %c0_i32, %c0_i32_0 : i32, i32, i32
  }
  func.func @transform_2(%arg0: i32) -> (i32, i32, i32) {
    %c0_i32 = arith.constant 0 : i32
    %c0_i32_0 = arith.constant 0 : i32
    %c0_i32_1 = arith.constant 0 : i32
    return %arg0, %c0_i32, %c0_i32_0 : i32, i32, i32
  }
  func.func @transform_3(%arg0: i32) -> (i32, i32) {
    %c0_i32 = arith.constant 0 : i32
    %c0_i32_0 = arith.constant 0 : i32
    %c0_i32_1 = arith.constant 0 : i32
    return %c0_i32, %c0_i32_0 : i32, i32
  }
  func.func @transform_4(%arg0: i32) -> (i32, i32) {
    %c0_i32 = arith.constant 0 : i32
    %c0_i32_0 = arith.constant 0 : i32
    %c0_i32_1 = arith.constant 0 : i32
    return %c0_i32, %c0_i32_0 : i32, i32
  }
  func.func @transform_5(%arg0: i32) -> (i32, i32) {
    %c0_i32 = arith.constant 0 : i32
    %c0_i32_0 = arith.constant 0 : i32
    %c0_i32_1 = arith.constant 0 : i32
    return %c0_i32, %c0_i32_0 : i32, i32
  }
}

</mosaic_0001>

<sc_bundles>
// kernel: kernel.5.cloned.1.call-start
scs
__scs_entry_jumppad:
0x0: {  	(pc) =	sbr.rel $0x88, $3  }
0x1: {  	(tag) =	ssettag $0x0;
	lr =	simm.s32 $0x1  }
0x2: {  	[smem:$0x3F9D] =	sst lr;
	_ =	strace $0xD0000000  }
0x3: {  	_ = 	snop  }
0x4: {  	_ = 	snop  }
0x5: {  	_ = 	snop  }
0x6: {  	_ = 	snop  }
0x7: {  	_ = 	snop  }
__scs_overlays_trampoline_lowered:
0x8: {  	[smem:$0x3FAC] =	sst s0  }
0x9: {  	[smem:$0x3FAD] =	sst s1  }
0xa: {  	[smem:$0x3FAE] =	sst s2  }
0xb: {  	[smem:$0x3FAF] =	sst s3  }
0xc: {  	[smem:$0x3FB0] =	sst s4  }
0xd: {  	[smem:$0x3FB1] =	sst s5  }
0xe: {  	[smem:$0x3FB2] =	sst s6  }
0xf: {  	[smem:$0x3FB3] =	sst s7  }
0x10: {  	[smem:$0x3FB4] =	sst s8  }
0x11: {  	[smem:$0x3FB5] =	sst s9;
	s0 =	simm.s32 @!p0 $0x0  }
0x12: {  	s1 =	sld [smem:$0x3F9B];
	s0 =	simm.s32 @p0 $0x1  }
0x13: {  	[smem:$0x3FB6] =	sst s0;
	s0 =	simm.s32 @!p1 $0x0  }
0x14: {  	s2 =	sld [smem:$0x3F9A];
	s0 =	simm.s32 @p1 $0x1  }
0x15: {  	[smem:$0x3FB7] =	sst s0;
	s0 =	simm.s32 @!p2 $0x0  }
0x16: {  	s3 =	sld [smem:$0x3FDB];
	s0 =	simm.s32 @p2 $0x1  }
0x17: {  	s4 =	simm.s32 $0x1BF5;
	[smem:$0x3FB9] =	sst s0  }
0x18: {  	s0 =	sld [smem:$0x3F9C];
	_ =	swait.ge [sflag:s4], $0x0  }
0x19: {  	s7 =	sld [smem:$0x3F9D]  }
0x1a: {  	s8 =	sadd.s32 $0xFFFFE003, lr  }
0x1b: {  	s9 =	sadd.s32 $0xFFFFFEF7, lr;
	s5 =	simm.s32 $0xFFFFFFFF;
	p2 =	slt.u32 s8, $0xFFFFF086  }
0x1c: {  	p1 =	slt.u32 s9, $0xF7A;
	s5 =	simm.s32 @!p2 $0x0  }
0x1d: {  	s5 =	simm.s32 @p1 $0x1;
	p0 =	seq.s32 s7, s2  }
0x1e: {  	s7 =	smul.u32 @!p0 $0xF7A, s2;
	p2 =	seq.s32 @!p0 s5, $0x0  }
0x1f: {  	s9 =	smul.u32 $0xF7A, s1;
	s8 =	simm.s32 @!p0 $0x1BF5;
	p2 =	por !p2, p0  }
0x20: {  	[sflag:s8] =	ssyncset.s32 @!p0 $0xFFFFF086;
	s6 =	sadd.s32 @!p0 s3, s7;
	s7 =	simm.s32 @!p0 $0x108  }
0x21: {  	s3 =	sadd.s32 s3, s9;
	s6 =	sadd.s32 @!p0 $0x88, s6;
	s7 =	simm.s32 @p2 $0x1082  }
0x22: {  	[simem:s7], [sflag:s8] =	dma.local @!p0 [hbm:s6], $0xF7A  }
0x23: {  	s9 =	sor.u32 $0xD0000000, s2;
	s6 =	simm.s32 $0x108;
	_ =	swait.ge @!p0 [sflag:s8], $0x0  }
0x24: {  	s3 =	sadd.s32 $0x88, s3;
	s6 =	simm.s32 @!p1 $0x1082;
	[sflag:s4] =	ssyncset.s32 $0xFFFFF086  }
0x25: {  	[simem:s6], [sflag:s4] =	dma.local [hbm:s3], $0xF7A  }
0x26: {  	[smem:$0x3F9D] =	sst s1;
	(tag) =	ssettag s2;
	_ =	strace s9  }
0x27: {  	s1 =	sld [smem:$0x3FAD]  }
0x28: {  	s2 =	sld [smem:$0x3FAE]  }
0x29: {  	s4 =	sld [smem:$0x3FB0]  }
0x2a: {  	p0 =	seq.s32 s5, $0x0;
	s5 =	sld [smem:$0x3FB1]  }
0x2b: {  	s6 =	sld [smem:$0x3FB2]  }
0x2c: {  	s7 =	sld [smem:$0x3FB3]  }
0x2d: {  	s3 =	simm.s32 $0x108;
	s8 =	sld [smem:$0x3FB4]  }
0x2e: {  	s3 =	simm.s32 @!p0 $0x1082;
	s9 =	sld [smem:$0x3FB5]  }
0x2f: {  	lr =	sadd.s32 s0, s3;
	s0 =	sld [smem:$0x3FAC]  }
0x30: {  	s3 =	sld [smem:$0x3FAF]  }
0x31: {  	[smem:$0x3FB8] =	sst s10  }
0x32: {  	s10 =	sld [smem:$0x3FB6];
	_ =	sdelay $0x3  }
0x33: {  	p0 =	seq.s32 s10, $0x1;
	s10 =	sld [smem:$0x3FB8];
	_ =	sdelay $0x3  }
0x34: {  	[smem:$0x3FB8] =	sst s10  }
0x35: {  	s10 =	sld [smem:$0x3FB7];
	_ =	sdelay $0x3  }
0x36: {  	p1 =	seq.s32 s10, $0x1;
	s10 =	sld [smem:$0x3FB8];
	_ =	sdelay $0x3  }
0x37: {  	[smem:$0x3FB8] =	sst s10  }
0x38: {  	s10 =	sld [smem:$0x3FB9]  }
0x39: {  	_ = 	snop;
	(pc) =	sbr.ind lr, $3  }
0x3a: {  	_ = 	snop  }
0x3b: {  	_ = 	snop  }
0x3c: {  	p2 =	seq.s32 s10, $0x1;
	s10 =	sld [smem:$0x3FB8]  }
0x3d: {  	_ =	shalt  }
0x3e: {  	_ =	shalt  }
0x3f: {  	_ =	shalt  }
0x40: {  	_ =	shalt  }
0x41: {  	_ =	shalt  }
0x42: {  	_ =	shalt  }
0x43: {  	_ =	shalt  }
0x44: {  	_ =	shalt  }
0x45: {  	_ =	shalt  }
0x46: {  	_ =	shalt  }
0x47: {  	_ =	shalt  }
0x48: {  	_ =	shalt  }
0x49: {  	_ =	shalt  }
0x4a: {  	_ =	shalt  }
0x4b: {  	_ =	shalt  }
0x4c: {  	_ =	shalt  }
0x4d: {  	_ =	shalt  }
0x4e: {  	_ =	shalt  }
0x4f: {  	_ =	shalt  }
0x50: {  	_ =	shalt  }
0x51: {  	_ =	shalt  }
0x52: {  	_ =	shalt  }
0x53: {  	_ =	shalt  }
0x54: {  	_ =	shalt  }
0x55: {  	_ =	shalt  }
0x56: {  	_ =	shalt  }
0x57: {  	_ =	shalt  }
0x58: {  	_ =	shalt  }
0x59: {  	_ =	shalt  }
0x5a: {  	_ =	shalt  }
0x5b: {  	_ =	shalt  }
0x5c: {  	_ =	shalt  }
0x5d: {  	_ =	shalt  }
0x5e: {  	_ =	shalt  }
0x5f: {  	_ =	shalt  }
0x60: {  	_ =	shalt  }
0x61: {  	_ =	shalt  }
0x62: {  	_ =	shalt  }
0x63: {  	_ =	shalt  }
0x64: {  	_ =	shalt  }
0x65: {  	_ =	shalt  }
0x66: {  	_ =	shalt  }
0x67: {  	_ =	shalt  }
0x68: {  	_ =	shalt  }
0x69: {  	_ =	shalt  }
0x6a: {  	_ =	shalt  }
0x6b: {  	_ =	shalt  }
0x6c: {  	_ =	shalt  }
0x6d: {  	_ =	shalt  }
0x6e: {  	_ =	shalt  }
0x6f: {  	_ =	shalt  }
0x70: {  	_ =	shalt  }
0x71: {  	_ =	shalt  }
0x72: {  	_ =	shalt  }
0x73: {  	_ =	shalt  }
0x74: {  	_ =	shalt  }
0x75: {  	_ =	shalt  }
0x76: {  	_ =	shalt  }
0x77: {  	_ =	shalt  }
0x78: {  	_ =	shalt  }
0x79: {  	_ =	shalt  }
0x7a: {  	_ =	shalt  }
0x7b: {  	_ =	shalt  }
0x7c: {  	_ =	shalt  }
0x7d: {  	_ =	shalt  }
0x7e: {  	_ =	shalt  }
0x7f: {  	_ =	shalt  }
0x80: {  	_ =	shalt  }
0x81: {  	_ =	shalt  }
0x82: {  	_ =	shalt  }
0x83: {  	_ =	shalt  }
0x84: {  	_ =	shalt  }
0x85: {  	_ =	shalt  }
0x86: {  	_ =	shalt  }
0x87: {  	_ =	shalt  }
.Lfunc_end0:
.L_simem_size_0:
called_computation_lowered:
.L_overlay_start_0:
0x88: {  	s2 =	sld [smem:$0x3FD9]  }
0x89: {  	s3 =	sld [smem:$0x3FFE];
	_ =	sdelay $0x1  }
0x8a: {  	s1 =	srdreg.scid  }
0x8b: {  	s0 =	sand.u32 $0x1, s1  }
0x8c: {  	s17 =	sshll.u32 s0, $0xA;
	s2 =	sadd.s32 s3, s2  }
0x8d: {  	s2 =	sadd.s32 s2, s17  }
0x8e: {  	[smem:$0x3FC4] =	sst s2  }
0x8f: {  	_ = 	snop  }
0x90: {  	s2 =	sld [smem:$0x3FD0];
	(tm) =	ssettm $0x1  }
0x91: {  	s18 =	sld [smem:$0x3FFB];
	_ =	sdelay $0x3  }
0x92: {  	_ =	strace s18  }
0x93: {  	s3 =	sld [smem:$0x3FFC];
	_ =	sdelay $0x3  }
0x94: {  	_ =	strace s3  }
0x95: {  	s3 =	sld [smem:$0x3FFD];
	_ =	sdelay $0x3  }
0x96: {  	_ =	strace s3  }
0x97: {  	_ =	strace $0x8FFFFFFF  }
0x98: {  	s19 =	sld [smem:$0x3FDB];
	_ =	sdelay $0x1  }
0x99: {  	s4 =	simm.s32 $_scs_section_size  }
0x9a: {  	s5 =	simm.s32 $_size__tile_overlayer_lowered;
	s6 =	simm.s32 $_tile_overlayer_lowered  }
0x9b: {  	s22 =	simm.s32 $0x1BFF;
	s21 =	sshll.u32 s6, $0x1;
	s3 =	sadd.s32 s4, s19  }
0x9c: {  	s7 =	simm.s32 $0x0;
	s20 =	sshll.u32 s5, $0x1;
	s5 =	sadd.s32 s21, s3  }
0x9d: {  	[timem:s7], [sflag:s22] =	dma.local [hbm:s5], s20  }
0x9e: {  	_ =	swait.ge [sflag:s22], s20  }
0x9f: {  	s4 =	ssub.s32 $0x0, s20;
	[sflag:s22] =	ssyncset.done $0x0  }
0xa0: {  	[sflag:s22] =	ssyncadd.s32 s4;
	_ =	sdelay $0x1  }
0xa1: {  	s23 =	simm.s32 $0x1B8B  }
0xa2: {  	_ =	swait.ge [sflag:s23], $0x1  }
0xa3: {  	[sflag:s23] =	ssyncset.done $0x0  }
0xa4: {  	s25 =	simm.s32 $0x1B8E;
	s24 =	sld [smem:$0x3FFE];
	[sflag:s23] =	ssyncadd.s32 $0xFFFFFFFF  }
0xa5: {  	s26 =	simm.s32 $execute0_lowered;
	[smem:$0x3FD2] =	sst s25  }
0xa6: {  	s5 =	sshll.u32 s26, $0x1;
	_ =	strace $0x80000046;
	[dreg:$0x1] =	wrdreg $0xFFFFFFFF  }
0xa7: {  	s28 =	simm.s32 $_size_execute0_lowered;
	s3 =	sadd.s32 s3, s5;
	[dreg:$0x0] =	wrdreg $0x0  }
0xa8: {  	s5 =	sshll.u32 s28, $0x1;
	[dreg:$0x2] =	wrdreg s3  }
0xa9: {  	[dreg:$0x3] =	wrdreg s5  }
0xaa: {  	[dreg:$0x4] =	wrdreg $0xC0  }
0xab: {  	_ =	task [dreg:s7], $0x5FFFF  }
0xac: {  	[dreg:$0x1] =	wrdreg $0xFFFFFFFF  }
0xad: {  	[dreg:$0x0] =	wrdreg $0x60  }
0xae: {  	[dreg:$0x2] =	wrdreg s2  }
0xaf: {  	[dreg:$0x3] =	wrdreg s24  }
0xb0: {  	[dreg:$0x4] =	wrdreg $0x9  }
0xb1: {  	_ =	task.clear_ibuf [dreg:s7], $0x5FFFF;
	_ =	strace $0x90000046  }
0xb2: {  	s29 =	simm.s32 $0x9;
	_ =	strace $0x80000048  }
0xb3: {  	_ =	swait.ge [sflag:s29], $0x1  }
0xb4: {  	[sflag:s29] =	ssyncadd.s32 $0xFFFFFFFF  }
0xb5: {  	_ =	strace $0x90000048  }
0xb6: {  	_ =	sfence  }
0xb7: {  	s30 =	sld [smem:$0x0];
	_ =	sdelay $0x2  }
0xb8: {  	s31 =	sshll.u32 s1, $0xD;
	s1 =	sshrl.u32 s1, $0x2  }
0xb9: {  	s3 =	sand.u32 $0x4000, s31;
	s1 =	sadd.s32 s1, s30  }
0xba: {  	s0 =	sor.u32 s3, s0;
	s1 =	sshll.u32 s1, $0x11  }
0xbb: {  	s0 =	sor.u32 s1, s0  }
0xbc: {  	s0 =	sadd.s32 $0x8F2B, s0  }
0xbd: {  	[sflag:s0] =	ssyncadd.remote.s32 $0x1  }
0xbe: {  	_ =	sfence.sel $0xFFFF  }
0xbf: {  	[dreg:$0x0] =	wrdreg $0xFFFFFFFF;
	(pc) =	sbr.abs _section_cstart, $3  }
0xc0: {  	[dreg:$0x1] =	wrdreg $0xFFFFFFFF  }
0xc1: {  	_ =	task.clear_ibuf [dreg:s7], $0x2FFFF;
	_ =	strace $0x9FFFFFFF  }
0xc2: {  	(tm) =	ssettm $0x7FFFFFFF  }
0xc3: {  	_ =	shalt  }
tec
execute0_lowered:
.L_overlay_start_1:
0x0: {  	(tag) =	ssettag $0x1  }
0x1: {  	s1 =	stileid.u32  }
0x2: {  	p0 =	sgt.u32 s1, $0x3  }
.Ltmp0:
0x3: {  	_ = 	snop;
	(pc) =	sbr.rel @p0 .LBB2_4-.Ltmp0, $4  }
0x4: {  	s2 =	rddreg [dreg:$0x0]  }
0x5: {  	s10 =	rddreg [dreg:$0x1];
	s3 =	simm.s32 $0x0  }
0x6: {  	[smem:$0x7FF] =	sst s3  }
0x7: {  	s0 =	rddreg [dreg:$0x2];
	_ =	strace $0x80000047  }
0x8: {  	s5 =	srdreg.scid;
	s4 =	simm.s32 $0x1  }
0x9: {  	[tilespmem:s3], [sflag:$0x1] =	stream.linear.gather [hbm4b:s2+s3], $0x2000, $0x38;
	[tilespmem:$0x2200] =	vst v63  }
0xa: {  	s11 =	sand.u32 $0x1, s5;
	_ =	swait.ge [sflag:s4], $0x2000  }
0xb: {  	s29 =	sshll.u32 s1, $0x5;
	s6 =	sshll.u32 s11, $0x4;
	[sflag:s4] =	ssyncset.done $0x0  }
0xc: {  	s5 =	sor.u32 s6, s29;
	[sflag:s4] =	ssyncadd.s32 $0xFFFFE000  }
0xd: {  	v0 =	vld [tilespmem:s5+$0x0];
	_ =	sdelay $0x1  }
0xe: {  	v1 =	vld [tilespmem:s5+$0x80];
	_ =	sdelay $0x2  }
0xf: {  	vm0 =	vgt.f32 v0, $-Inf  }
0x10: {  	v3 =	vimm.s32 $0x0;
	v2 =	vld [tilespmem:s5+$0x100];
	v0 =	vnsel vm0, $0xFF800000, v0  }
0x11: {  	vm9 =	vlt.f32 v1, $-Inf;
	vm1 =	vgt.f32 v1, $-Inf;
	vm3 =	vgt.f32 v1, v0  }
0x12: {  	vm2 =	vmor vm1, vm9;
	v3 =	vsel vm3, $0xFFFFFFFF, v3  }
0x13: {  	v4 =	vld [tilespmem:s5+$0x180];
	vm0 =	vmneg vm3;
	[tilespmem:$0x1FBC0] =	vst v3;
	v3 =	vnsel vm2, $0xFF800000, v1  }
0x14: {  	v3 =	vsel vm0, v3, v0  }
0x15: {  	v0 =	vsel vm0, v0, v1;
	vm15 =	vgt.f32 v2, v3  }
0x16: {  	vm3 =	vgt.f32 v2, v0;
	v1 =	vsel vm15, v2, v3  }
0x17: {  	v3 =	vld [tilespmem:s5+$0x200];
	v1 =	vsel vm3, v0, v1  }
0x18: {  	v0 =	vsel vm3, v2, v0;
	v2 =	vimm.s32 $0x0;
	vm10 =	vgt.f32 v4, v1  }
0x19: {  	v2 =	vsel vm10, $0xFFFFFFFF, v2  }
0x1a: {  	vm4 =	vgt.f32 v4, v0;
	v1 =	vsel vm10, v4, v1;
	[tilespmem:$0x1FBD0] =	vst v2;
	v2 =	vld [tilespmem:s5+$0x280]  }
0x1b: {  	v1 =	vsel vm4, v0, v1  }
0x1c: {  	v0 =	vsel vm4, v4, v0;
	vm11 =	vgt.f32 v3, v1  }
0x1d: {  	v54 =	vld [tilespmem:s5+$0x300];
	vm5 =	vgt.f32 v3, v0;
	v1 =	vsel vm11, v3, v1  }
0x1e: {  	v1 =	vsel vm5, v0, v1  }
0x1f: {  	v0 =	vsel vm5, v3, v0;
	v3 =	vimm.s32 $0x0;
	vm12 =	vgt.f32 v2, v1  }
0x20: {  	vm6 =	vgt.f32 v2, v0;
	v3 =	vsel vm12, $0xFFFFFFFF, v3;
	v1 =	vsel vm12, v2, v1  }
0x21: {  	[tilespmem:$0x1FBF0] =	vst v3;
	v3 =	vld [tilespmem:s5+$0x380];
	v1 =	vsel vm6, v0, v1  }
0x22: {  	v0 =	vsel vm6, v2, v0;
	v2 =	vimm.s32 $0x0;
	vm13 =	vgt.f32 v54, v1  }
0x23: {  	v2 =	vsel vm13, $0xFFFFFFFF, v2  }
0x24: {  	vm7 =	vgt.f32 v54, v0;
	v1 =	vsel vm13, v54, v1;
	[tilespmem:$0x1FC00] =	vst v2;
	v2 =	vld [tilespmem:s5+$0x400]  }
0x25: {  	v53 =	vimm.s32 $0x0;
	v55 =	vimm.s32 $0x0;
	v1 =	vsel vm7, v0, v1  }
0x26: {  	v57 =	vimm.s32 $0x0;
	v0 =	vsel vm7, v54, v0;
	vm14 =	vgt.f32 v3, v1  }
0x27: {  	v59 =	vimm.s32 $0x0;
	v56 =	vld [tilespmem:s5+$0x480];
	vm8 =	vgt.f32 v3, v0;
	v1 =	vsel vm14, v3, v1  }
0x28: {  	v12 =	vimm.s32 $0x0;
	v15 =	vimm.s32 $0x0;
	v1 =	vsel vm8, v0, v1  }
0x29: {  	v0 =	vsel vm8, v3, v0;
	v3 =	vimm.s32 $0x0;
	vm10 =	vgt.f32 v2, v1  }
0x2a: {  	vm9 =	vgt.f32 v2, v0;
	v3 =	vsel vm10, $0xFFFFFFFF, v3;
	v1 =	vsel vm10, v2, v1  }
0x2b: {  	v18 =	vimm.s32 $0x0;
	v4 =	vsel vm11, $0xFFFFFFFF, v53;
	[tilespmem:$0x1FC20] =	vst v3;
	v3 =	vld [tilespmem:s5+$0x500];
	v1 =	vsel vm9, v0, v1  }
0x2c: {  	v0 =	vsel vm9, v2, v0;
	v2 =	vimm.s32 $0x0;
	vm11 =	vgt.f32 v56, v1  }
0x2d: {  	v21 =	vimm.s32 $0x0;
	v24 =	vimm.s32 $0x0;
	v2 =	vsel vm11, $0xFFFFFFFF, v2  }
0x2e: {  	v28 =	vimm.s32 $0x0;
	vm10 =	vgt.f32 v56, v0;
	v1 =	vsel vm11, v56, v1;
	[tilespmem:$0x1FC30] =	vst v2;
	v2 =	vld [tilespmem:s5+$0x580]  }
0x2f: {  	v30 =	vimm.s32 $0x0;
	v33 =	vimm.s32 $0x0;
	v1 =	vsel vm10, v0, v1  }
0x30: {  	v36 =	vimm.s32 $0x0;
	v0 =	vsel vm10, v56, v0;
	vm12 =	vgt.f32 v3, v1  }
0x31: {  	v39 =	vimm.s32 $0x0;
	v58 =	vld [tilespmem:s5+$0x600];
	vm11 =	vgt.f32 v3, v0;
	v1 =	vsel vm12, v3, v1  }
0x32: {  	v40 =	vimm.s32 $0x0;
	[tilespmem:$0x1FBE0] =	vst v4;
	v4 =	vsel vm14, $0xFFFFFFFF, v55;
	v1 =	vsel vm11, v0, v1  }
0x33: {  	v0 =	vsel vm11, v3, v0;
	v3 =	vimm.s32 $0x0;
	vm13 =	vgt.f32 v2, v1  }
0x34: {  	[tilespmem:$0x1FC10] =	vst v4;
	vm1 =	vgt.f32 v2, v0;
	v3 =	vsel vm13, $0xFFFFFFFF, v3;
	v1 =	vsel vm13, v2, v1  }
0x35: {  	v43 =	vimm.s32 $0x0;
	v4 =	vsel vm12, $0xFFFFFFFF, v57;
	[tilespmem:$0x1FC50] =	vst v3;
	v3 =	vld [tilespmem:s5+$0x680];
	v1 =	vsel vm1, v0, v1  }
0x36: {  	v0 =	vsel vm1, v2, v0;
	v2 =	vimm.s32 $0x0;
	vm12 =	vgt.f32 v58, v1  }
0x37: {  	v46 =	vimm.s32 $0x0;
	v49 =	vimm.s32 $0x0;
	v7 =	vld [tilespmem:$0x1FBC0];
	v2 =	vsel vm12, $0xFFFFFFFF, v2  }
0x38: {  	v51 =	vimm.s32 $0x0;
	v1 =	vsel vm12, v58, v1;
	vm12 =	vgt.f32 v58, v0;
	[tilespmem:$0x1FC60] =	vst v2;
	v2 =	vld [tilespmem:s5+$0x700]  }
0x39: {  	v11 =	vimm.s32 $0x0;
	v10 =	vimm.s32 $0x0;
	v1 =	vsel vm12, v0, v1  }
0x3a: {  	vm2 =	vmand vm2, vm0;
	v0 =	vsel vm12, v58, v0;
	vm13 =	vgt.f32 v3, v1  }
0x3b: {  	[tilespmem:$0x1FC40] =	vst v4;
	v4 =	vsel vm13, $0xFFFFFFFF, v59;
	v1 =	vsel vm13, v3, v1;
	vm13 =	vgt.f32 v3, v0  }
0x3c: {  	v60 =	vld [tilespmem:s5+$0x780];
	vm0 =	vnez.u8 v7;
	v54 =	vimm.s32 $0x0;
	v1 =	vsel vm13, v0, v1  }
0x3d: {  	v62 =	vld [tilespmem:$0x1FBD0];
	v3 =	vsel vm13, v3, v0;
	v0 =	vimm.s32 $0x0;
	vm14 =	vgt.f32 v2, v1  }
0x3e: {  	v0 =	vsel vm14, $0xFFFFFFFF, v0;
	v1 =	vsel vm14, v2, v1;
	vm14 =	vgt.f32 v2, v3  }
0x3f: {  	v5 =	vld [tilespmem:s5+$0x800];
	v57 =	vimm.s32 $0x0;
	[tilespmem:$0x1FC80] =	vst v0;
	v0 =	vimm.s32 $0x0;
	v1 =	vsel vm14, v3, v1  }
0x40: {  	v2 =	vsel vm14, v2, v3;
	v3 =	vimm.s32 $0x0;
	v6 =	vsel vm2, $0x1, v0  }
0x41: {  	v7 =	vsel vm0, $0x1, v0;
	vm0 =	vgt.f32 v60, v1;
	vm2 =	vgt.f32 v60, v2  }
0x42: {  	v13 =	vld [tilespmem:$0x1FBE0];
	v3 =	vsel vm0, $0xFFFFFFFF, v3;
	v1 =	vsel vm0, v60, v1;
	vm0 =	vnez.u8 v62  }
0x43: {  	v61 =	vld [tilespmem:s5+$0x880];
	[tilespmem:$0x1FC90] =	vst v3;
	v3 =	vsel vm15, $0x2, v6;
	v1 =	vsel vm2, v2, v1;
	v2 =	vsel vm2, v60, v2  }
0x44: {  	v3 =	vsel vm3, v7, v3;
	v7 =	vsel vm3, $0x2, v7;
	vm15 =	vgt.f32 v5, v1  }
0x45: {  	v16 =	vld [tilespmem:$0x1FBF0];
	vm3 =	vgt.f32 v5, v2;
	v3 =	vsel vm0, $0x3, v3;
	v1 =	vsel vm15, v5, v1  }
0x46: {  	v60 =	vimm.s32 $0x0;
	v3 =	vsel vm4, v7, v3;
	v1 =	vsel vm3, v2, v1  }
0x47: {  	v63 =	vld [tilespmem:s5+$0x900];
	v7 =	vsel vm4, $0x3, v7;
	v2 =	vsel vm3, v5, v2;
	vm4 =	vnez.u8 v13  }
0x48: {  	v8 =	vld [tilespmem:$0x1FC00];
	vm0 =	vgt.f32 v61, v1;
	v3 =	vsel vm4, $0x4, v3;
	vm4 =	vgt.f32 v61, v2  }
0x49: {  	v5 =	vsel vm0, $0xFFFFFFFF, v12;
	v1 =	vsel vm0, v61, v1;
	v3 =	vsel vm5, v7, v3  }
0x4a: {  	v14 =	vld [tilespmem:s5+$0x980];
	v7 =	vsel vm5, $0x4, v7;
	vm5 =	vnez.u8 v16;
	v1 =	vsel vm4, v2, v1  }
0x4b: {  	v2 =	vsel vm4, v61, v2;
	v3 =	vsel vm5, $0x5, v3;
	v19 =	vsel vm6, $0x5, v7  }
0x4c: {  	v17 =	vld [tilespmem:s5+$0xA00];
	vm0 =	vgt.f32 v63, v1;
	vm5 =	vgt.f32 v63, v2;
	v3 =	vsel vm6, v7, v3  }
0x4d: {  	v22 =	vld [tilespmem:$0x1FC10];
	v6 =	vsel vm0, $0xFFFFFFFF, v15;
	v1 =	vsel vm0, v63, v1;
	vm0 =	vnez.u8 v8  }
0x4e: {  	v1 =	vsel vm5, v2, v1;
	v3 =	vsel vm0, $0x6, v3;
	v2 =	vsel vm5, v63, v2  }
0x4f: {  	v63 =	vimm.s32 $0x0;
	vm0 =	vgt.f32 v14, v1;
	vm6 =	vgt.f32 v14, v2  }
0x50: {  	v25 =	vld [tilespmem:$0x1FC20];
	[tilespmem:$0x1FC70] =	vst v4;
	v3 =	vsel vm7, v19, v3;
	v4 =	vsel vm0, $0xFFFFFFFF, v18;
	v1 =	vsel vm0, v14, v1  }
0x51: {  	v20 =	vld [tilespmem:s5+$0xA80];
	[tilespmem:$0x1FCC0] =	vst v4;
	v1 =	vsel vm6, v2, v1;
	v4 =	vsel vm7, $0x6, v19;
	v2 =	vsel vm6, v14, v2  }
0x52: {  	vm7 =	vnez.u8 v22;
	v14 =	vimm.s32 $0x0;
	vm0 =	vgt.f32 v17, v1  }
0x53: {  	v27 =	vld [tilespmem:$0x1FC30];
	[tilespmem:$0x1FCA0] =	vst v5;
	v3 =	vsel vm7, $0x7, v3;
	vm7 =	vgt.f32 v17, v2;
	v5 =	vsel vm0, $0xFFFFFFFF, v21  }
0x54: {  	v1 =	vsel vm0, v17, v1;
	v3 =	vsel vm8, v4, v3;
	v4 =	vsel vm8, $0x7, v4  }
0x55: {  	v23 =	vld [tilespmem:s5+$0xB00];
	vm8 =	vnez.u8 v25;
	v1 =	vsel vm7, v2, v1;
	v2 =	vsel vm7, v17, v2  }
0x56: {  	v31 =	vld [tilespmem:$0x1FC40];
	v3 =	vsel vm8, $0x8, v3;
	v17 =	vimm.s32 $0x0;
	vm0 =	vgt.f32 v20, v1  }
0x57: {  	vm8 =	vgt.f32 v20, v2;
	v3 =	vsel vm9, v4, v3;
	v4 =	vsel vm9, $0x8, v4  }
0x58: {  	[tilespmem:$0x1FCB0] =	vst v6;
	v6 =	vsel vm0, $0xFFFFFFFF, v24;
	v1 =	vsel vm0, v20, v1;
	vm0 =	vnez.u8 v27  }
0x59: {  	v34 =	vld [tilespmem:$0x1FC50];
	v1 =	vsel vm8, v2, v1;
	v3 =	vsel vm0, $0x9, v3;
	v2 =	vsel vm8, v20, v2  }
0x5a: {  	v26 =	vld [tilespmem:s5+$0xB80];
	v20 =	vimm.s32 $0x0;
	vm0 =	vgt.f32 v23, v1;
	vm9 =	vgt.f32 v23, v2  }
0x5b: {  	v3 =	vsel vm10, v4, v3;
	v4 =	vsel vm10, $0x9, v4;
	vm10 =	vnez.u8 v31  }
0x5c: {  	v37 =	vld [tilespmem:$0x1FC60];
	v7 =	vsel vm0, $0xFFFFFFFF, v28;
	v1 =	vsel vm0, v23, v1;
	v3 =	vsel vm10, $0xA, v3  }
0x5d: {  	v28 =	vimm.s32 $0x0;
	v1 =	vsel vm9, v2, v1;
	v2 =	vsel vm9, v23, v2  }
0x5e: {  	v52 =	vld [tilespmem:$0x1FCA0];
	v3 =	vsel vm11, v4, v3;
	v4 =	vsel vm11, $0xA, v4;
	vm11 =	vnez.u8 v34  }
0x5f: {  	v29 =	vld [tilespmem:s5+$0xC00];
	v23 =	vimm.s32 $0x0;
	vm0 =	vgt.f32 v26, v1;
	vm10 =	vgt.f32 v26, v2  }
0x60: {  	v41 =	vld [tilespmem:$0x1FC70];
	[tilespmem:$0x1FCD0] =	vst v5;
	v3 =	vsel vm11, $0xB, v3;
	v5 =	vsel vm0, $0xFFFFFFFF, v30;
	v1 =	vsel vm0, v26, v1  }
0x61: {  	v3 =	vsel vm1, v4, v3;
	v4 =	vsel vm1, $0xB, v4;
	vm1 =	vnez.u8 v37  }
0x62: {  	v30 =	vimm.s32 $0x0;
	v37 =	vimm.s32 $0x0;
	v1 =	vsel vm10, v2, v1  }
0x63: {  	v32 =	vld [tilespmem:s5+$0xC80];
	v2 =	vsel vm10, v26, v2;
	v3 =	vsel vm1, $0xC, v3;
	vm1 =	vnez.u8 v52  }
0x64: {  	v44 =	vld [tilespmem:$0x1FC80];
	v52 =	vimm.s32 $0x0;
	vm0 =	vgt.f32 v29, v1;
	vm11 =	vgt.f32 v29, v2  }
0x65: {  	v3 =	vsel vm12, v4, v3;
	v4 =	vsel vm12, $0xC, v4;
	vm12 =	vnez.u8 v41  }
0x66: {  	[tilespmem:$0x1FCE0] =	vst v6;
	v41 =	vimm.s32 $0x0;
	v6 =	vsel vm0, $0xFFFFFFFF, v33;
	v1 =	vsel vm0, v29, v1  }
0x67: {  	v47 =	vld [tilespmem:$0x1FC90];
	v3 =	vsel vm12, $0xD, v3;
	v33 =	vimm.s32 $0x0;
	v1 =	vsel vm11, v2, v1  }
0x68: {  	v2 =	vsel vm11, v29, v2;
	v3 =	vsel vm13, v4, v3;
	v4 =	vsel vm13, $0xD, v4  }
0x69: {  	v35 =	vld [tilespmem:s5+$0xD00];
	vm13 =	vnez.u8 v44;
	v44 =	vimm.s32 $0x0;
	vm0 =	vgt.f32 v32, v1  }
0x6a: {  	[tilespmem:$0x1FCF0] =	vst v7;
	v3 =	vsel vm13, $0xE, v3;
	v7 =	vsel vm0, $0xFFFFFFFF, v36;
	v1 =	vsel vm0, v32, v1  }
0x6b: {  	vm0 =	vgt.f32 v32, v2;
	v3 =	vsel vm14, v4, v3;
	v4 =	vsel vm14, $0xE, v4  }
0x6c: {  	vm14 =	vnez.u8 v47;
	v36 =	vimm.s32 $0x0;
	v8 =	vsel vm0, $0xFFFFFFFF, v39  }
0x6d: {  	v38 =	vld [tilespmem:s5+$0xD80];
	v1 =	vsel vm0, v2, v1;
	v2 =	vsel vm0, v32, v2;
	v3 =	vsel vm14, $0xF, v3  }
0x6e: {  	vm0 =	vgt.f32 v35, v1;
	vm12 =	vgt.f32 v35, v2;
	v3 =	vsel vm2, v4, v3  }
0x6f: {  	v55 =	vld [tilespmem:$0x1FCB0];
	[tilespmem:$0x1FD00] =	vst v5;
	v4 =	vsel vm2, $0xF, v4;
	v5 =	vsel vm0, $0xFFFFFFFF, v40;
	v1 =	vsel vm0, v35, v1  }
0x70: {  	v42 =	vld [tilespmem:s5+$0xE00];
	v3 =	vsel vm15, $0x10, v3;
	v40 =	vimm.s32 $0x0;
	v1 =	vsel vm12, v2, v1  }
0x71: {  	v58 =	vld [tilespmem:$0x1FCC0];
	[tilespmem:$0x1FD30] =	vst v8;
	v2 =	vsel vm12, v35, v2;
	v3 =	vsel vm3, v4, v3;
	v4 =	vsel vm3, $0x10, v4  }
0x72: {  	v26 =	vld [tilespmem:$0x1FD30];
	vm0 =	vgt.f32 v38, v1;
	vm13 =	vgt.f32 v38, v2;
	v3 =	vsel vm1, $0x11, v3  }
0x73: {  	[tilespmem:$0x1FD10] =	vst v6;
	v6 =	vsel vm0, $0xFFFFFFFF, v43;
	v1 =	vsel vm0, v38, v1;
	v3 =	vsel vm4, v4, v3  }
0x74: {  	v4 =	vsel vm4, $0x11, v4;
	vm4 =	vnez.u8 v55;
	v55 =	vimm.s32 $0x0  }
0x75: {  	v45 =	vld [tilespmem:s5+$0xE80];
	v1 =	vsel vm13, v2, v1;
	v2 =	vsel vm13, v38, v2;
	v3 =	vsel vm4, $0x12, v3  }
0x76: {  	v61 =	vld [tilespmem:$0x1FCD0];
	vm0 =	vgt.f32 v42, v1;
	vm14 =	vgt.f32 v42, v2;
	v3 =	vsel vm5, v4, v3  }
0x77: {  	v4 =	vsel vm5, $0x12, v4;
	vm5 =	vnez.u8 v58;
	vm2 =	vnez.u8 v26  }
0x78: {  	v12 =	vld [tilespmem:$0x1FCE0];
	v58 =	vimm.s32 $0x0;
	v26 =	vimm.s32 $0x0;
	v1 =	vsel vm0, v42, v1  }
0x79: {  	v48 =	vld [tilespmem:s5+$0xF00];
	[tilespmem:$0x1FD20] =	vst v7;
	v7 =	vsel vm0, $0xFFFFFFFF, v46;
	v3 =	vsel vm5, $0x13, v3;
	v1 =	vsel vm14, v2, v1  }
0x7a: {  	v15 =	vld [tilespmem:$0x1FCF0];
	v2 =	vsel vm14, v42, v2;
	v3 =	vsel vm6, v4, v3;
	v4 =	vsel vm6, $0x13, v4  }
0x7b: {  	vm6 =	vnez.u8 v61;
	vm0 =	vgt.f32 v45, v1;
	vm15 =	vgt.f32 v45, v2  }
0x7c: {  	[tilespmem:$0x1FD40] =	vst v5;
	v3 =	vsel vm6, $0x14, v3;
	v5 =	vsel vm0, $0xFFFFFFFF, v49;
	v1 =	vsel vm0, v45, v1  }
0x7d: {  	v3 =	vsel vm7, v4, v3;
	v4 =	vsel vm7, $0x14, v4;
	vm7 =	vnez.u8 v12  }
0x7e: {  	v18 =	vld [tilespmem:$0x1FD00];
	v1 =	vsel vm15, v2, v1;
	v2 =	vsel vm15, v45, v2;
	v3 =	vsel vm7, $0x15, v3  }
0x7f: {  	v50 =	vld [tilespmem:s5+$0xF80];
	vm7 =	vnez.u8 v15;
	v45 =	vimm.s32 $0x0;
	vm0 =	vgt.f32 v48, v1  }
0x80: {  	v21 =	vld [tilespmem:$0x1FD10];
	vm3 =	vgt.f32 v48, v2;
	v3 =	vsel vm8, v4, v3;
	v4 =	vsel vm8, $0x15, v4  }
0x81: {  	[tilespmem:$0x1FD50] =	vst v6;
	v6 =	vsel vm0, $0xFFFFFFFF, v51;
	v1 =	vsel vm0, v48, v1;
	v3 =	vsel vm7, $0x16, v3  }
0x82: {  	v53 =	vld [tilespmem:s5+$0x1000];
	v51 =	vimm.s32 $0x0;
	v1 =	vsel vm3, v2, v1;
	v2 =	vsel vm3, v48, v2  }
0x83: {  	v3 =	vsel vm9, v4, v3;
	v4 =	vsel vm9, $0x16, v4;
	vm9 =	vnez.u8 v18  }
0x84: {  	v48 =	vimm.s32 $0x0;
	vm0 =	vgt.f32 v50, v1;
	vm4 =	vgt.f32 v50, v2  }
0x85: {  	v56 =	vld [tilespmem:s5+$0x1080];
	v3 =	vsel vm9, $0x17, v3;
	vm9 =	vnez.u8 v21;
	v1 =	vsel vm0, v50, v1  }
0x86: {  	v24 =	vld [tilespmem:$0x1FD20];
	[tilespmem:$0x1FD60] =	vst v7;
	v7 =	vsel vm0, $0xFFFFFFFF, v54;
	v3 =	vsel vm10, v4, v3;
	v1 =	vsel vm4, v2, v1  }
0x87: {  	v4 =	vsel vm10, $0x17, v4;
	v2 =	vsel vm4, v50, v2;
	vm0 =	vgt.f32 v53, v1  }
0x88: {  	v59 =	vld [tilespmem:s5+$0x1100];
	v3 =	vsel vm9, $0x18, v3;
	vm5 =	vgt.f32 v53, v2;
	v1 =	vsel vm0, v53, v1  }
0x89: {  	v3 =	vsel vm11, v4, v3;
	v4 =	vsel vm11, $0x18, v4;
	v1 =	vsel vm5, v2, v1  }
0x8a: {  	v27 =	vld [tilespmem:$0x1FD40];
	[tilespmem:$0x1FD70] =	vst v5;
	v5 =	vsel vm0, $0xFFFFFFFF, v57;
	v2 =	vsel vm5, v53, v2;
	vm0 =	vgt.f32 v56, v1  }
0x8b: {  	v62 =	vld [tilespmem:s5+$0x1180];
	vm11 =	vnez.u8 v24;
	vm6 =	vgt.f32 v56, v2;
	v1 =	vsel vm0, v56, v1  }
0x8c: {  	v18 =	vimm.s32 $0x0;
	v3 =	vsel vm11, $0x19, v3;
	v1 =	vsel vm6, v2, v1  }
0x8d: {  	v8 =	vsel vm6, $0xFFFFFFFF, v63;
	v2 =	vsel vm6, v56, v2;
	vm6 =	vgt.f32 v59, v1  }
0x8e: {  	v13 =	vld [tilespmem:s5+$0x1200];
	[tilespmem:$0x1FD90] =	vst v7;
	v7 =	vsel vm6, $0xFFFFFFFF, v11;
	v1 =	vsel vm6, v59, v1;
	vm6 =	vgt.f32 v59, v2  }
0x8f: {  	vm9 =	vnez.u8 v27;
	v3 =	vsel vm2, v4, v3;
	v1 =	vsel vm6, v2, v1  }
0x90: {  	v31 =	vld [tilespmem:$0x1FD50];
	v4 =	vsel vm2, $0x19, v4;
	v2 =	vsel vm6, v59, v2;
	vm8 =	vgt.f32 v62, v1  }
0x91: {  	v16 =	vld [tilespmem:s5+$0x1280];
	v3 =	vsel vm9, $0x1A, v3;
	vm7 =	vgt.f32 v62, v2;
	v1 =	vsel vm8, v62, v1  }
0x92: {  	[tilespmem:$0x1FD80] =	vst v6;
	v6 =	vsel vm0, $0xFFFFFFFF, v60;
	v3 =	vsel vm12, v4, v3;
	v1 =	vsel vm7, v2, v1  }
0x93: {  	v19 =	vld [tilespmem:s5+$0x1300];
	[tilespmem:$0x1FDA0] =	vst v5;
	v5 =	vsel vm8, $0xFFFFFFFF, v14;
	v2 =	vsel vm7, v62, v2;
	vm8 =	vgt.f32 v13, v1  }
0x94: {  	v34 =	vld [tilespmem:$0x1FD60];
	v4 =	vsel vm12, $0x1A, v4;
	vm0 =	vgt.f32 v13, v2;
	v1 =	vsel vm8, v13, v1  }
0x95: {  	vm12 =	vnez.u8 v31;
	v60 =	vimm.s32 $0x0;
	v1 =	vsel vm0, v2, v1  }
0x96: {  	[tilespmem:$0x1FDB0] =	vst v6;
	v6 =	vsel vm8, $0xFFFFFFFF, v17;
	v2 =	vsel vm0, v13, v2;
	vm8 =	vgt.f32 v16, v1  }
0x97: {  	v22 =	vld [tilespmem:s5+$0x1380];
	[tilespmem:$0x1FDD0] =	vst v7;
	v7 =	vsel vm8, $0xFFFFFFFF, v20;
	v1 =	vsel vm8, v16, v1;
	vm8 =	vgt.f32 v16, v2  }
0x98: {  	v63 =	vimm.s32 $0x0;
	v3 =	vsel vm12, $0x1B, v3;
	v1 =	vsel vm8, v2, v1  }
0x99: {  	vm12 =	vnez.u8 v34;
	v53 =	vld [tilespmem:$0x1FDB0];
	v2 =	vsel vm8, v16, v2;
	vm10 =	vgt.f32 v19, v1  }
0x9a: {  	v25 =	vld [tilespmem:s5+$0x1400];
	v3 =	vsel vm13, v4, v3;
	vm1 =	vgt.f32 v19, v2;
	v1 =	vsel vm10, v19, v1  }
0x9b: {  	v4 =	vsel vm13, $0x1B, v4;
	v3 =	vsel vm12, $0x1C, v3;
	v1 =	vsel vm1, v2, v1  }
0x9c: {  	v3 =	vsel vm14, v4, v3;
	v2 =	vsel vm1, v19, v2;
	vm9 =	vgt.f32 v22, v1  }
0x9d: {  	v29 =	vld [tilespmem:s5+$0x1480];
	v4 =	vsel vm14, $0x1C, v4;
	vm2 =	vgt.f32 v22, v2;
	v1 =	vsel vm9, v22, v1  }
0x9e: {  	vm11 =	vnez.u8 v53;
	v13 =	vimm.s32 $0x0;
	v1 =	vsel vm2, v2, v1  }
0x9f: {  	[tilespmem:$0x1FDF0] =	vst v6;
	v6 =	vsel vm9, $0xFFFFFFFF, v28;
	v2 =	vsel vm2, v22, v2;
	vm9 =	vgt.f32 v25, v1  }
0xa0: {  	v38 =	vld [tilespmem:$0x1FD70];
	[tilespmem:$0x1FE00] =	vst v7;
	v7 =	vsel vm9, $0xFFFFFFFF, v30;
	v1 =	vsel vm9, v25, v1;
	vm9 =	vgt.f32 v25, v2  }
0xa1: {  	v32 =	vld [tilespmem:s5+$0x1500];
	v20 =	vimm.s32 $0x0;
	v16 =	vimm.s32 $0x0;
	v1 =	vsel vm9, v2, v1  }
0xa2: {  	v42 =	vld [tilespmem:$0x1FD80];
	[tilespmem:$0x1FDE0] =	vst v5;
	v5 =	vsel vm10, $0xFFFFFFFF, v23;
	v2 =	vsel vm9, v25, v2;
	vm13 =	vgt.f32 v29, v1  }
0xa3: {  	[tilespmem:$0x1FE10] =	vst v5;
	v5 =	vsel vm13, $0xFFFFFFFF, v33;
	v1 =	vsel vm13, v29, v1;
	vm13 =	vgt.f32 v29, v2  }
0xa4: {  	[tilespmem:$0x1FDC0] =	vst v8;
	v23 =	vimm.s32 $0x0;
	v30 =	vimm.s32 $0x0;
	v8 =	vsel vm13, $0xFFFFFFFF, v36  }
0xa5: {  	v35 =	vld [tilespmem:s5+$0x1580];
	v1 =	vsel vm13, v2, v1;
	v2 =	vsel vm13, v29, v2;
	vm13 =	vnez.u8 v38  }
0xa6: {  	v38 =	vimm.s32 $0x0;
	vm12 =	vgt.f32 v32, v1;
	v3 =	vsel vm13, $0x1D, v3  }
0xa7: {  	v46 =	vld [tilespmem:$0x1FD90];
	[tilespmem:$0x1FE20] =	vst v6;
	vm14 =	vgt.f32 v32, v2;
	vm13 =	vnez.u8 v42;
	v6 =	vsel vm12, $0xFFFFFFFF, v37  }
0xa8: {  	[tilespmem:$0x1FE50] =	vst v8;
	v1 =	vsel vm12, v32, v1;
	v8 =	vsel vm14, $0xFFFFFFFF, v40;
	v3 =	vsel vm15, v4, v3  }
0xa9: {  	v49 =	vld [tilespmem:$0x1FDA0];
	v4 =	vsel vm15, $0x1D, v4;
	v1 =	vsel vm14, v2, v1;
	v2 =	vsel vm14, v32, v2  }
0xaa: {  	v39 =	vld [tilespmem:s5+$0x1600];
	[tilespmem:$0x1FE30] =	vst v7;
	v3 =	vsel vm13, $0x1E, v3;
	vm12 =	vgt.f32 v35, v1;
	vm14 =	vgt.f32 v35, v2  }
0xab: {  	v24 =	vld [tilespmem:$0x1FE30];
	v3 =	vsel vm3, v4, v3;
	v4 =	vsel vm3, $0x1E, v4;
	v7 =	vsel vm12, $0xFFFFFFFF, v41  }
0xac: {  	[tilespmem:$0x1FE70] =	vst v8;
	v1 =	vsel vm12, v35, v1;
	v8 =	vsel vm14, $0xFFFFFFFF, v44;
	vm12 =	vnez.u8 v46  }
0xad: {  	v57 =	vld [tilespmem:$0x1FDD0];
	v41 =	vimm.s32 $0x0;
	v1 =	vsel vm14, v2, v1;
	v2 =	vsel vm14, v35, v2  }
0xae: {  	v3 =	vsel vm12, $0x1F, v3;
	vm14 =	vnez.u8 v49;
	v35 =	vimm.s32 $0x0  }
0xaf: {  	v43 =	vld [tilespmem:s5+$0x1680];
	v49 =	vimm.s32 $0x0;
	vm15 =	vgt.f32 v39, v1;
	vm3 =	vgt.f32 v39, v2  }
0xb0: {  	v61 =	vld [tilespmem:$0x1FDE0];
	v3 =	vsel vm4, v4, v3;
	v4 =	vsel vm4, $0x1F, v4;
	vm4 =	vnez.u8 v24  }
0xb1: {  	v56 =	vld [tilespmem:$0x1FDC0];
	[tilespmem:$0x1FE40] =	vst v5;
	v5 =	vsel vm15, $0xFFFFFFFF, v45;
	v1 =	vsel vm15, v39, v1;
	v3 =	vsel vm14, $0x20, v3  }
0xb2: {  	vm14 =	vnez.u8 v57;
	v45 =	vimm.s32 $0x0;
	v1 =	vsel vm3, v2, v1  }
0xb3: {  	v47 =	vld [tilespmem:s5+$0x1700];
	v2 =	vsel vm3, v39, v2;
	v3 =	vsel vm5, v4, v3;
	v4 =	vsel vm5, $0x20, v4  }
0xb4: {  	vm13 =	vgt.f32 v43, v1;
	vm15 =	vgt.f32 v43, v2;
	v3 =	vsel vm11, $0x21, v3  }
0xb5: {  	v27 =	vld [tilespmem:$0x1FE40];
	[tilespmem:$0x1FE60] =	vst v6;
	vm11 =	vnez.u8 v61;
	v6 =	vsel vm13, $0xFFFFFFFF, v48;
	v1 =	vsel vm13, v43, v1  }
0xb6: {  	v50 =	vld [tilespmem:s5+$0x1780];
	[tilespmem:$0x1FE90] =	vst v8;
	v8 =	vsel vm15, $0xFFFFFFFF, v51;
	vm13 =	vnez.u8 v56;
	v1 =	vsel vm15, v2, v1  }
0xb7: {  	v14 =	vld [tilespmem:$0x1FE00];
	v2 =	vsel vm15, v43, v2;
	v3 =	vsel vm13, v4, v3;
	v4 =	vsel vm13, $0x21, v4  }
0xb8: {  	[tilespmem:$0x1FE80] =	vst v7;
	vm10 =	vgt.f32 v47, v1;
	vm12 =	vgt.f32 v47, v2;
	v3 =	vsel vm14, $0x22, v3  }
0xb9: {  	v11 =	vld [tilespmem:$0x1FDF0];
	[tilespmem:$0x1FEC0] =	vst v8;
	v7 =	vsel vm10, $0xFFFFFFFF, v52;
	v1 =	vsel vm10, v47, v1;
	v8 =	vsel vm12, $0xFFFFFFFF, v55  }
0xba: {  	v3 =	vsel vm6, v4, v3;
	v4 =	vsel vm6, $0x22, v4;
	vm6 =	vnez.u8 v27  }
0xbb: {  	v54 =	vld [tilespmem:s5+$0x1800];
	v52 =	vimm.s32 $0x0;
	v1 =	vsel vm12, v2, v1;
	v2 =	vsel vm12, v47, v2  }
0xbc: {  	v3 =	vsel vm11, $0x23, v3;
	vm11 =	vnez.u8 v14;
	vm15 =	vgt.f32 v50, v1  }
0xbd: {  	vm12 =	vgt.f32 v50, v2;
	v3 =	vsel vm7, v4, v3;
	v4 =	vsel vm7, $0x23, v4  }
0xbe: {  	v59 =	vld [tilespmem:s5+$0x1880];
	[tilespmem:$0x1FEA0] =	vst v5;
	v5 =	vsel vm15, $0xFFFFFFFF, v58;
	v1 =	vsel vm15, v50, v1;
	vm15 =	vnez.u8 v11  }
0xbf: {  	v1 =	vsel vm12, v2, v1;
	v2 =	vsel vm12, v50, v2;
	v3 =	vsel vm15, $0x24, v3  }
0xc0: {  	v17 =	vld [tilespmem:$0x1FE10];
	vm10 =	vgt.f32 v54, v1;
	vm13 =	vgt.f32 v54, v2;
	v3 =	vsel vm0, v4, v3  }
0xc1: {  	v62 =	vld [tilespmem:s5+$0x1900];
	[tilespmem:$0x1FEB0] =	vst v6;
	v4 =	vsel vm0, $0x24, v4;
	v6 =	vsel vm10, $0xFFFFFFFF, v60;
	v1 =	vsel vm10, v54, v1  }
0xc2: {  	[tilespmem:$0x1FEE0] =	vst v8;
	v8 =	vsel vm13, $0xFFFFFFFF, v63;
	v3 =	vsel vm11, $0x25, v3;
	v1 =	vsel vm13, v2, v1  }
0xc3: {  	v2 =	vsel vm13, v54, v2;
	v3 =	vsel vm8, v4, v3;
	vm14 =	vgt.f32 v59, v1  }
0xc4: {  	v21 =	vld [tilespmem:$0x1FE20];
	v4 =	vsel vm8, $0x25, v4;
	vm15 =	vgt.f32 v59, v2;
	v1 =	vsel vm14, v59, v1  }
0xc5: {  	v12 =	vld [tilespmem:s5+$0x1980];
	[tilespmem:$0x1FED0] =	vst v7;
	v7 =	vsel vm14, $0xFFFFFFFF, v10;
	vm14 =	vnez.u8 v17;
	v1 =	vsel vm15, v2, v1  }
0xc6: {  	v2 =	vsel vm15, v59, v2;
	v3 =	vsel vm14, $0x26, v3;
	vm10 =	vgt.f32 v62, v1  }
0xc7: {  	v29 =	vld [tilespmem:$0x1FE50];
	[tilespmem:$0x1FEF0] =	vst v5;
	vm13 =	vgt.f32 v62, v2;
	v3 =	vsel vm1, v4, v3;
	v4 =	vsel vm1, $0x26, v4  }
0xc8: {  	v33 =	vld [tilespmem:$0x1FE70];
	[tilespmem:$0x1FF10] =	vst v8;
	v5 =	vsel vm10, $0xFFFFFFFF, v13;
	v1 =	vsel vm10, v62, v1;
	v8 =	vsel vm13, $0xFFFFFFFF, v16  }
0xc9: {  	v31 =	vld [tilespmem:$0x1FE60];
	vm10 =	vnez.u8 v21;
	v1 =	vsel vm13, v2, v1;
	v2 =	vsel vm13, v62, v2  }
0xca: {  	v15 =	vld [tilespmem:s5+$0x1A00];
	v3 =	vsel vm10, $0x27, v3;
	vm7 =	vgt.f32 v12, v1;
	vm14 =	vgt.f32 v12, v2  }
0xcb: {  	[tilespmem:$0x1FF00] =	vst v6;
	v3 =	vsel vm2, v4, v3;
	v4 =	vsel vm2, $0x27, v4;
	v6 =	vsel vm7, $0xFFFFFFFF, v18  }
0xcc: {  	v37 =	vld [tilespmem:$0x1FE90];
	v1 =	vsel vm7, v12, v1;
	v3 =	vsel vm4, $0x28, v3;
	vm7 =	vnez.u8 v29  }
0xcd: {  	v19 =	vld [tilespmem:s5+$0x1A80];
	vm4 =	vnez.u8 v33;
	v1 =	vsel vm14, v2, v1;
	v2 =	vsel vm14, v12, v2  }
0xce: {  	v3 =	vsel vm9, v4, v3;
	v4 =	vsel vm9, $0x28, v4;
	vm9 =	vnez.u8 v31  }
0xcf: {  	vm8 =	vgt.f32 v15, v1;
	vm13 =	vgt.f32 v15, v2;
	v3 =	vsel vm6, $0x29, v3  }
0xd0: {  	v22 =	vld [tilespmem:s5+$0x1B00];
	[tilespmem:$0x1FF20] =	vst v7;
	v7 =	vsel vm8, $0xFFFFFFFF, v20;
	v1 =	vsel vm8, v15, v1;
	v3 =	vsel vm7, v4, v3  }
0xd1: {  	v34 =	vld [tilespmem:$0x1FE80];
	v4 =	vsel vm7, $0x29, v4;
	vm7 =	vnez.u8 v37;
	v1 =	vsel vm13, v2, v1  }
0xd2: {  	v25 =	vld [tilespmem:s5+$0x1B80];
	v2 =	vsel vm13, v15, v2;
	v3 =	vsel vm9, $0x2A, v3;
	vm11 =	vgt.f32 v19, v1  }
0xd3: {  	v39 =	vld [tilespmem:$0x1FEA0];
	[tilespmem:$0x1FF30] =	vst v5;
	v5 =	vsel vm11, $0xFFFFFFFF, v23;
	v1 =	vsel vm11, v19, v1;
	vm11 =	vgt.f32 v19, v2  }
0xd4: {  	v3 =	vsel vm4, v4, v3;
	v1 =	vsel vm11, v2, v1;
	v2 =	vsel vm11, v19, v2  }
0xd5: {  	v28 =	vld [tilespmem:s5+$0x1C00];
	v4 =	vsel vm4, $0x2A, v4;
	vm5 =	vgt.f32 v22, v1;
	vm10 =	vgt.f32 v22, v2  }
0xd6: {  	v44 =	vld [tilespmem:$0x1FEC0];
	[tilespmem:$0x1FF50] =	vst v6;
	v6 =	vsel vm5, $0xFFFFFFFF, v26;
	v1 =	vsel vm5, v22, v1;
	vm5 =	vnez.u8 v34  }
0xd7: {  	v1 =	vsel vm10, v2, v1;
	v2 =	vsel vm10, v22, v2;
	v3 =	vsel vm5, $0x2B, v3  }
0xd8: {  	vm5 =	vnez.u8 v39;
	vm8 =	vgt.f32 v25, v1;
	vm9 =	vgt.f32 v25, v2  }
0xd9: {  	v32 =	vld [tilespmem:s5+$0x1C80];
	v3 =	vsel vm7, v4, v3;
	v4 =	vsel vm7, $0x2B, v4;
	v1 =	vsel vm8, v25, v1  }
0xda: {  	v42 =	vld [tilespmem:$0x1FEB0];
	[tilespmem:$0x1FF60] =	vst v7;
	v7 =	vsel vm8, $0xFFFFFFFF, v30;
	v3 =	vsel vm5, $0x2C, v3;
	v1 =	vsel vm9, v2, v1  }
0xdb: {  	vm5 =	vnez.u8 v44;
	v2 =	vsel vm9, v25, v2;
	vm6 =	vgt.f32 v28, v1  }
0xdc: {  	v36 =	vld [tilespmem:s5+$0x1D00];
	v3 =	vsel vm3, v4, v3;
	vm8 =	vgt.f32 v28, v2;
	v1 =	vsel vm6, v28, v1  }
0xdd: {  	v4 =	vsel vm3, $0x2C, v4;
	v1 =	vsel vm8, v2, v1;
	v2 =	vsel vm8, v28, v2  }
0xde: {  	v46 =	vld [tilespmem:$0x1FED0];
	[tilespmem:$0x1FF70] =	vst v5;
	v5 =	vsel vm6, $0xFFFFFFFF, v35;
	vm4 =	vgt.f32 v32, v1;
	vm7 =	vgt.f32 v32, v2  }
0xdf: {  	v40 =	vld [tilespmem:s5+$0x1D80];
	[tilespmem:$0x1FF80] =	vst v6;
	v6 =	vsel vm4, $0xFFFFFFFF, v38;
	v1 =	vsel vm4, v32, v1;
	vm4 =	vnez.u8 v42  }
0xe0: {  	v48 =	vld [tilespmem:$0x1FEE0];
	v1 =	vsel vm7, v2, v1;
	v2 =	vsel vm7, v32, v2;
	v3 =	vsel vm4, $0x2D, v3  }
0xe1: {  	v55 =	vld [tilespmem:$0x1FF10];
	vm6 =	vgt.f32 v36, v1;
	v3 =	vsel vm5, v4, v3;
	v4 =	vsel vm5, $0x2D, v4  }
0xe2: {  	v50 =	vld [tilespmem:$0x1FEF0];
	[tilespmem:$0x1FF90] =	vst v7;
	v7 =	vsel vm6, $0xFFFFFFFF, v41;
	v1 =	vsel vm6, v36, v1;
	vm6 =	vgt.f32 v36, v2  }
0xe3: {  	v43 =	vld [tilespmem:s5+$0x1E00];
	vm5 =	vnez.u8 v46;
	v1 =	vsel vm6, v2, v1;
	v2 =	vsel vm6, v36, v2  }
0xe4: {  	v3 =	vsel vm5, $0x2E, v3;
	vm4 =	vgt.f32 v40, v1;
	vm5 =	vgt.f32 v40, v2  }
0xe5: {  	v53 =	vld [tilespmem:$0x1FF00];
	[tilespmem:$0x1FFA0] =	vst v5;
	v5 =	vsel vm4, $0xFFFFFFFF, v45;
	v1 =	vsel vm4, v40, v1;
	vm4 =	vnez.u8 v48  }
0xe6: {  	v56 =	vld [tilespmem:$0x1FF20];
	vm0 =	vnez.u8 v55;
	v3 =	vsel vm4, v4, v3;
	v1 =	vsel vm5, v2, v1  }
0xe7: {  	v47 =	vld [tilespmem:s5+$0x1E80];
	v4 =	vsel vm4, $0x2E, v4;
	v2 =	vsel vm5, v40, v2;
	vm4 =	vnez.u8 v50  }
0xe8: {  	v57 =	vld [tilespmem:$0x1FF30];
	vm1 =	vgt.f32 v43, v1;
	v3 =	vsel vm4, $0x2F, v3;
	vm4 =	vgt.f32 v43, v2  }
0xe9: {  	[tilespmem:$0x1FFB0] =	vst v6;
	v6 =	vsel vm1, $0xFFFFFFFF, v49;
	v1 =	vsel vm1, v43, v1;
	v3 =	vsel vm12, v4, v3  }
0xea: {  	v51 =	vld [tilespmem:s5+$0x1F00];
	v4 =	vsel vm12, $0x2F, v4;
	vm12 =	vnez.u8 v53;
	v1 =	vsel vm4, v2, v1  }
0xeb: {  	[tilespmem:$0x1FF40] =	vst v8;
	v2 =	vsel vm4, v43, v2;
	v3 =	vsel vm12, $0x30, v3;
	vm12 =	vnez.u8 v56  }
0xec: {  	v58 =	vld [tilespmem:$0x1FF40];
	vm1 =	vgt.f32 v47, v1;
	vm3 =	vgt.f32 v47, v2;
	v3 =	vsel vm0, v4, v3  }
0xed: {  	v54 =	vld [tilespmem:s5+$0x1F80];
	v4 =	vsel vm0, $0x30, v4;
	vm0 =	vnez.u8 v57;
	v1 =	vsel vm1, v47, v1  }
0xee: {  	[tilespmem:$0x1FFC0] =	vst v7;
	v7 =	vsel vm1, $0xFFFFFFFF, v52;
	v3 =	vsel vm12, $0x31, v3;
	v1 =	vsel vm3, v2, v1  }
0xef: {  	v59 =	vld [tilespmem:$0x1FF50];
	v2 =	vsel vm3, v47, v2;
	v3 =	vsel vm15, v4, v3;
	vm12 =	vgt.f32 v51, v1  }
0xf0: {  	v4 =	vsel vm15, $0x31, v4;
	vm2 =	vgt.f32 v51, v2;
	v1 =	vsel vm12, v51, v1  }
0xf1: {  	v60 =	vld [tilespmem:$0x1FF60];
	v3 =	vsel vm0, $0x32, v3;
	vm0 =	vnez.u8 v58;
	v1 =	vsel vm2, v2, v1  }
0xf2: {  	v3 =	vsel vm0, v4, v3;
	v2 =	vsel vm2, v51, v2;
	vm15 =	vgt.f32 v54, v1  }
0xf3: {  	v61 =	vld [tilespmem:$0x1FF70];
	v4 =	vsel vm0, $0x32, v4;
	vm1 =	vgt.f32 v54, v2;
	v1 =	vsel vm15, v54, v1  }
0xf4: {  	vm0 =	vnez.u8 v59;
	v1 =	vsel vm1, v2, v1;
	v2 =	vsel vm1, v54, v2  }
0xf5: {  	v3 =	vsel vm0, $0x33, v3;
	v1 =	vsub.f32 v1, v2  }
0xf6: {  	v2 =	vsel vm14, v4, v3;
	v3 =	vsel vm14, $0x33, v4;
	vm14 =	vnez.u8 v60  }
0xf7: {  	v2 =	vsel vm14, $0x34, v2  }
0xf8: {  	vm14 =	vnez.u8 v61;
	v1 =	vmul.f32 $1.442695020e+00, v1;
	v2 =	vsel vm13, v3, v2  }
0xf9: {  	v3 =	vsel vm13, $0x34, v3;
	v2 =	vsel vm14, $0x35, v2  }
0xfa: {  	(erf) = vpow2.f32 v1;
	v1 =	vsel vm11, v3, v2;
	v2 =	vsel vm11, $0x35, v3;
	v3 =	vld [tilespmem:$0x1FF80];
	_ =	sdelay $0x4  }
0xfb: {  	vm11 =	vnez.u8 v3;
	v3 =	vld [tilespmem:$0x1FF90];
	_ =	sdelay $0x4  }
0xfc: {  	vm13 =	vnez.u8 v3;
	v3 =	vld [tilespmem:$0x1FFA0];
	_ =	sdelay $0x4  }
0xfd: {  	vm14 =	vnez.u8 v3;
	v3 =	vld [tilespmem:$0x1FFB0];
	_ =	sdelay $0x1  }
0xfe: {  	v1 =	vsel vm11, $0x36, v1  }
0xff: {  	v1 =	vsel vm10, v2, v1  }
0x100: {  	v2 =	vsel vm10, $0x36, v2;
	v1 =	vsel vm13, $0x37, v1  }
0x101: {  	v1 =	vsel vm9, v2, v1;
	v2 =	vsel vm9, $0x37, v2;
	vm9 =	vnez.u8 v3;
	v3 =	vpop (erf)  }
0x102: {  	v3 =	vadd.f32 $1.000000000e+00, v3  }
0x103: {  	v62 =	vld [tilespmem:$0x1FFC0];
	[tilespmem:$0x1FFE0] =	vst v6  }
0x104: {  	[tilespmem:$0x1FFD0] =	vst v5;
	(erf) = vrcp.f32 v3;
	v3 =	vld [tilespmem:$0x1FFE0]  }
0x105: {  	v63 =	vld [tilespmem:$0x1FFD0];
	v1 =	vsel vm14, $0x38, v1  }
0x106: {  	v1 =	vsel vm8, v2, v1  }
0x107: {  	v2 =	vsel vm8, $0x38, v2;
	v1 =	vsel vm9, $0x39, v1  }
0x108: {  	[tilespmem:$0x1FFF0] =	vst v7;
	vm10 =	vnez.u8 v62;
	v1 =	vsel vm7, v2, v1  }
0x109: {  	v2 =	vsel vm7, $0x39, v2;
	v1 =	vsel vm10, $0x3A, v1;
	vm13 =	vnez.u8 v3;
	v3 =	vld [tilespmem:$0x1FFF0]  }
0x10a: {  	vm11 =	vnez.u8 v63;
	v1 =	vsel vm6, v2, v1  }
0x10b: {  	v2 =	vsel vm6, $0x3A, v2;
	v1 =	vsel vm11, $0x3B, v1  }
0x10c: {  	v1 =	vsel vm5, v2, v1  }
0x10d: {  	v2 =	vsel vm5, $0x3B, v2;
	v1 =	vsel vm13, $0x3C, v1  }
0x10e: {  	v1 =	vsel vm4, v2, v1;
	vm14 =	vnez.u8 v3  }
0x10f: {  	v2 =	vsel vm4, $0x3C, v2;
	v1 =	vsel vm14, $0x3D, v1  }
0x110: {  	v1 =	vsel vm3, v2, v1;
	v2 =	vsel vm3, $0x3D, v2  }
0x111: {  	v1 =	vsel vm12, $0x3E, v1;
	v3 =	vsel vm2, $0x3E, v2  }
0x112: {  	v1 =	vsel vm2, v2, v1;
	v2 =	vsel vm1, $0x3F, v3;
	_ =	sdelay $0x1  }
0x113: {  	v1 =	vsel vm15, $0x3F, v1  }
0x114: {  	[tilespmem:$0x2100] =	vst v2;
	v1 =	vsel vm1, v3, v1;
	v2 =	vpop (erf)  }
0x115: {  	[tilespmem:$0x2180] =	vst v1;
	v1 =	vsub.f32 $1.000000000e+00, v2  }
0x116: {  	s8 =	sadd.s32 $0x1200, s10;
	s12 =	sshrl.u32 s5, $0x3;
	[tilespmem:$0x2000] =	vst v2  }
0x117: {  	s7 =	simm.s32 $0x2000;
	s6 =	sadd.s32 s8, s12;
	[tilespmem:$0x2080] =	vst v1  }
0x118: {  	[hbm4b:s6+s3] =	stream.linear.scatter [tilespmem:s7], [sflag:$0x1], $0x10, $0x38;
	[tilespmem:$0x2200] =	vst v63  }
0x119: {  	_ =	swait.ge [sflag:s4], $0x10  }
0x11a: {  	s9 =	simm.s32 $0x2080;
	s13 =	sor.u32 $0x10, s12;
	[sflag:s4] =	ssyncset.done $0x0  }
0x11b: {  	s15 =	ssub.s32 $0x2, s11;
	s8 =	sadd.s32 s8, s13;
	[sflag:s4] =	ssyncadd.s32 $0xFFFFFFF0  }
0x11c: {  	[hbm4b:s8+s3] =	stream.linear.scatter [tilespmem:s9], [sflag:$0x1], $0x10, $0x38;
	[tilespmem:$0x2200] =	vst v63  }
0x11d: {  	s14 =	sadd.s32 $0x1400, s10;
	s16 =	sshrl.u32 s15, $0x1;
	_ =	swait.ge [sflag:s4], $0x10  }
0x11e: {  	s11 =	simm.s32 $0x2100;
	s30 =	ssub.s32 s15, s16;
	[sflag:s4] =	ssyncset.done $0x0  }
0x11f: {  	s10 =	sadd.s32 s14, s12;
	s31 =	smax.u32 s30, $0x1;
	[sflag:s4] =	ssyncadd.s32 $0xFFFFFFF0  }
0x120: {  	[hbm4b:s10+s3] =	stream.linear.scatter [tilespmem:s11], [sflag:$0x1], $0x10, $0x38;
	[tilespmem:$0x2200] =	vst v63  }
0x121: {  	p0 =	sne.s32 s31, $0x1;
	_ =	swait.ge [sflag:s4], $0x10  }
.Ltmp1:
0x122: {  	[sflag:s4] =	ssyncset.done $0x0;
	(pc) =	sbr.rel @!p0 .LBB2_3-.Ltmp1, $4  }
0x123: {  	s12 =	sadd.s32 s14, s13;
	s13 =	simm.s32 $0x2180;
	[sflag:s4] =	ssyncadd.s32 $0xFFFFFFF0  }
0x124: {  	[hbm4b:s12+s3] =	stream.linear.scatter [tilespmem:s13], [sflag:$0x1], $0x10, $0x38;
	[tilespmem:$0x2200] =	vst v63  }
0x125: {  	_ =	swait.ge [sflag:s4], $0x10  }
0x126: {  	s14 =	sadd.s32 $0xFFFFFFFF, s31;
	[sflag:s4] =	ssyncset.done $0x0  }
.LBB2_2:
0x127: {  	p0 =	sne.s32 s14, $0x1;
	s14 =	sadd.s32 $0xFFFFFFFF, s14;
	[sflag:s4] =	ssyncadd.s32 $0xFFFFFFF0  }
0x128: {  	[tilespmem:s3], [sflag:$0x1] =	stream.linear.gather [hbm4b:s2+s3], $0x2000, $0x38;
	[tilespmem:$0x2200] =	vst v63  }
0x129: {  	_ =	swait.ge [sflag:s4], $0x2000  }
0x12a: {  	[sflag:s4] =	ssyncset.done $0x0  }
0x12b: {  	[sflag:s4] =	ssyncadd.s32 $0xFFFFE000  }
0x12c: {  	v1 =	vld [tilespmem:s5+$0x0]  }
0x12d: {  	v2 =	vld [tilespmem:s5+$0x80];
	_ =	sdelay $0x3  }
0x12e: {  	vm0 =	vgt.f32 v1, $-Inf;
	v3 =	vld [tilespmem:s5+$0x100]  }
0x12f: {  	v1 =	vnsel vm0, $0xFF800000, v1;
	vm0 =	vlt.f32 v2, $-Inf;
	vm1 =	vgt.f32 v2, $-Inf  }
0x130: {  	vm2 =	vgt.f32 v2, v1;
	vm0 =	vmor vm1, vm0  }
0x131: {  	vm1 =	vmneg vm2;
	v4 =	vnsel vm0, $0xFF800000, v2;
	v5 =	vld [tilespmem:s5+$0x180]  }
0x132: {  	v4 =	vsel vm1, v4, v1;
	vm0 =	vmand vm0, vm1;
	v1 =	vsel vm1, v1, v2  }
0x133: {  	v6 =	vsel vm2, $0x1, v0;
	v2 =	vsel vm0, $0x1, v0;
	vm0 =	vgt.f32 v3, v4  }
0x134: {  	vm1 =	vgt.f32 v3, v1;
	v4 =	vsel vm0, v3, v4;
	v2 =	vsel vm0, $0x2, v2;
	v7 =	vld [tilespmem:s5+$0x200]  }
0x135: {  	v4 =	vsel vm1, v1, v4;
	v2 =	vsel vm1, v6, v2;
	v1 =	vsel vm1, v3, v1  }
0x136: {  	v3 =	vsel vm1, $0x2, v6;
	vm0 =	vgt.f32 v5, v4  }
0x137: {  	vm1 =	vgt.f32 v5, v1;
	v4 =	vsel vm0, v5, v4;
	v2 =	vsel vm0, $0x3, v2;
	v6 =	vld [tilespmem:s5+$0x280]  }
0x138: {  	v4 =	vsel vm1, v1, v4;
	v2 =	vsel vm1, v3, v2;
	v3 =	vsel vm1, $0x3, v3  }
0x139: {  	v1 =	vsel vm1, v5, v1;
	vm0 =	vgt.f32 v7, v4  }
0x13a: {  	vm1 =	vgt.f32 v7, v1;
	v4 =	vsel vm0, v7, v4;
	v2 =	vsel vm0, $0x4, v2;
	v5 =	vld [tilespmem:s5+$0x300]  }
0x13b: {  	v4 =	vsel vm1, v1, v4;
	v2 =	vsel vm1, v3, v2  }
0x13c: {  	v1 =	vsel vm1, v7, v1;
	v3 =	vsel vm1, $0x4, v3;
	vm0 =	vgt.f32 v6, v4  }
0x13d: {  	vm1 =	vgt.f32 v6, v1;
	v4 =	vsel vm0, v6, v4;
	v2 =	vsel vm0, $0x5, v2;
	v7 =	vld [tilespmem:s5+$0x380]  }
0x13e: {  	v4 =	vsel vm1, v1, v4;
	v2 =	vsel vm1, v3, v2;
	v1 =	vsel vm1, v6, v1  }
0x13f: {  	vm0 =	vgt.f32 v5, v4  }
0x140: {  	vm2 =	vgt.f32 v5, v1;
	v4 =	vsel vm0, v5, v4;
	v2 =	vsel vm0, $0x6, v2;
	v6 =	vld [tilespmem:s5+$0x400]  }
0x141: {  	v3 =	vsel vm1, $0x5, v3;
	v4 =	vsel vm2, v1, v4  }
0x142: {  	v2 =	vsel vm2, v3, v2;
	v1 =	vsel vm2, v5, v1;
	vm0 =	vgt.f32 v7, v4  }
0x143: {  	v3 =	vsel vm2, $0x6, v3;
	vm1 =	vgt.f32 v7, v1;
	v4 =	vsel vm0, v7, v4;
	v5 =	vld [tilespmem:s5+$0x480]  }
0x144: {  	v2 =	vsel vm0, $0x7, v2;
	v8 =	vsel vm1, $0x7, v3;
	v4 =	vsel vm1, v1, v4  }
0x145: {  	v2 =	vsel vm1, v3, v2;
	v1 =	vsel vm1, v7, v1;
	vm0 =	vgt.f32 v6, v4  }
0x146: {  	vm5 =	vgt.f32 v6, v1;
	v3 =	vsel vm0, v6, v4;
	v2 =	vsel vm0, $0x8, v2;
	v4 =	vld [tilespmem:s5+$0x500]  }
0x147: {  	v3 =	vsel vm5, v1, v3;
	v2 =	vsel vm5, v8, v2;
	v1 =	vsel vm5, v6, v1  }
0x148: {  	vm6 =	vgt.f32 v5, v3  }
0x149: {  	vm7 =	vgt.f32 v5, v1;
	v3 =	vsel vm6, v5, v3;
	v6 =	vld [tilespmem:s5+$0x580]  }
0x14a: {  	v3 =	vsel vm7, v1, v3  }
0x14b: {  	v1 =	vsel vm7, v5, v1;
	vm9 =	vgt.f32 v4, v3  }
0x14c: {  	vm0 =	vgt.f32 v4, v1;
	v3 =	vsel vm9, v4, v3;
	v5 =	vld [tilespmem:s5+$0x600]  }
0x14d: {  	v3 =	vsel vm0, v1, v3  }
0x14e: {  	v1 =	vsel vm0, v4, v1;
	vm3 =	vgt.f32 v6, v3  }
0x14f: {  	vm1 =	vgt.f32 v6, v1;
	v3 =	vsel vm3, v6, v3;
	v4 =	vld [tilespmem:s5+$0x680]  }
0x150: {  	v3 =	vsel vm1, v1, v3;
	v1 =	vsel vm1, v6, v1  }
0x151: {  	vm4 =	vgt.f32 v5, v3  }
0x152: {  	vm2 =	vgt.f32 v5, v1;
	v3 =	vsel vm4, v5, v3;
	v6 =	vld [tilespmem:s5+$0x700]  }
0x153: {  	v3 =	vsel vm2, v1, v3  }
0x154: {  	v2 =	vsel vm6, $0x9, v2;
	v1 =	vsel vm2, v5, v1;
	vm6 =	vgt.f32 v4, v3  }
0x155: {  	v5 =	vsel vm5, $0x8, v8;
	vm5 =	vgt.f32 v4, v1;
	v3 =	vsel vm6, v4, v3;
	v7 =	vld [tilespmem:s5+$0x780]  }
0x156: {  	v2 =	vsel vm7, v5, v2;
	v5 =	vsel vm7, $0x9, v5;
	v3 =	vsel vm5, v1, v3  }
0x157: {  	v8 =	vsel vm0, $0xA, v5;
	v1 =	vsel vm5, v4, v1;
	vm8 =	vgt.f32 v6, v3  }
0x158: {  	v4 =	vsel vm1, $0xB, v8;
	vm7 =	vgt.f32 v6, v1;
	v3 =	vsel vm8, v6, v3;
	v9 =	vld [tilespmem:s5+$0x800]  }
0x159: {  	v2 =	vsel vm9, $0xA, v2;
	v10 =	vsel vm2, $0xC, v4;
	v3 =	vsel vm7, v1, v3  }
0x15a: {  	v11 =	vsel vm5, $0xD, v10;
	v1 =	vsel vm7, v6, v1;
	vm10 =	vgt.f32 v7, v3  }
0x15b: {  	v6 =	vsel vm7, $0xE, v11;
	vm9 =	vgt.f32 v7, v1;
	v3 =	vsel vm10, v7, v3;
	v12 =	vld [tilespmem:s5+$0x880]  }
0x15c: {  	v2 =	vsel vm0, v5, v2;
	v3 =	vsel vm9, v1, v3;
	v1 =	vsel vm9, v7, v1  }
0x15d: {  	v2 =	vsel vm3, $0xB, v2;
	v5 =	vsel vm9, $0xF, v6;
	vm3 =	vgt.f32 v9, v3  }
0x15e: {  	v2 =	vsel vm1, v8, v2;
	vm0 =	vgt.f32 v9, v1;
	v3 =	vsel vm3, v9, v3;
	v7 =	vld [tilespmem:s5+$0x900]  }
0x15f: {  	v2 =	vsel vm4, $0xC, v2;
	v8 =	vsel vm0, $0x10, v5;
	v3 =	vsel vm0, v1, v3  }
0x160: {  	v2 =	vsel vm2, v4, v2;
	v1 =	vsel vm0, v9, v1;
	vm2 =	vgt.f32 v12, v3  }
0x161: {  	v2 =	vsel vm6, $0xD, v2;
	vm1 =	vgt.f32 v12, v1;
	v3 =	vsel vm2, v12, v3;
	v4 =	vld [tilespmem:s5+$0x980]  }
0x162: {  	v2 =	vsel vm5, v10, v2;
	v3 =	vsel vm1, v1, v3  }
0x163: {  	v2 =	vsel vm8, $0xE, v2;
	v1 =	vsel vm1, v12, v1;
	vm6 =	vgt.f32 v7, v3  }
0x164: {  	v2 =	vsel vm7, v11, v2;
	vm4 =	vgt.f32 v7, v1;
	v3 =	vsel vm6, v7, v3;
	v9 =	vld [tilespmem:s5+$0xA00]  }
0x165: {  	v2 =	vsel vm10, $0xF, v2;
	v3 =	vsel vm4, v1, v3;
	v1 =	vsel vm4, v7, v1  }
0x166: {  	v2 =	vsel vm9, v6, v2;
	v6 =	vsel vm1, $0x11, v8;
	vm7 =	vgt.f32 v4, v3  }
0x167: {  	v7 =	vsel vm4, $0x12, v6;
	vm5 =	vgt.f32 v4, v1;
	v3 =	vsel vm7, v4, v3;
	v10 =	vld [tilespmem:s5+$0xA80]  }
0x168: {  	v3 =	vsel vm5, v1, v3;
	v1 =	vsel vm5, v4, v1;
	v4 =	vsel vm5, $0x13, v7  }
0x169: {  	v2 =	vsel vm3, $0x10, v2;
	vm3 =	vgt.f32 v9, v3  }
0x16a: {  	v2 =	vsel vm0, v5, v2;
	vm0 =	vgt.f32 v9, v1;
	v3 =	vsel vm3, v9, v3;
	v5 =	vld [tilespmem:s5+$0xB00]  }
0x16b: {  	v2 =	vsel vm2, $0x11, v2;
	v11 =	vsel vm0, $0x14, v4;
	v3 =	vsel vm0, v1, v3  }
0x16c: {  	v2 =	vsel vm1, v8, v2;
	v1 =	vsel vm0, v9, v1;
	vm2 =	vgt.f32 v10, v3  }
0x16d: {  	v2 =	vsel vm6, $0x12, v2;
	vm1 =	vgt.f32 v10, v1;
	v3 =	vsel vm2, v10, v3;
	v8 =	vld [tilespmem:s5+$0xB80]  }
0x16e: {  	v2 =	vsel vm4, v6, v2;
	v3 =	vsel vm1, v1, v3  }
0x16f: {  	v6 =	vsel vm1, $0x15, v11;
	v1 =	vsel vm1, v10, v1;
	vm4 =	vgt.f32 v5, v3  }
0x170: {  	v2 =	vsel vm7, $0x13, v2;
	vm6 =	vgt.f32 v5, v1;
	v3 =	vsel vm4, v5, v3;
	v9 =	vld [tilespmem:s5+$0xC00]  }
0x171: {  	v2 =	vsel vm5, v7, v2;
	v3 =	vsel vm6, v1, v3;
	v1 =	vsel vm6, v5, v1  }
0x172: {  	v2 =	vsel vm3, $0x14, v2;
	v5 =	vsel vm6, $0x16, v6;
	vm3 =	vgt.f32 v8, v3  }
0x173: {  	v2 =	vsel vm0, v4, v2;
	vm0 =	vgt.f32 v8, v1;
	v3 =	vsel vm3, v8, v3;
	v4 =	vld [tilespmem:s5+$0xC80]  }
0x174: {  	v2 =	vsel vm2, $0x15, v2;
	v3 =	vsel vm0, v1, v3;
	v1 =	vsel vm0, v8, v1  }
0x175: {  	v2 =	vsel vm1, v11, v2;
	v7 =	vsel vm0, $0x17, v5;
	vm1 =	vgt.f32 v9, v3  }
0x176: {  	v2 =	vsel vm4, $0x16, v2;
	vm2 =	vgt.f32 v9, v1;
	v3 =	vsel vm1, v9, v3;
	v8 =	vld [tilespmem:s5+$0xD00]  }
0x177: {  	v2 =	vsel vm6, v6, v2;
	v6 =	vsel vm2, $0x18, v7;
	v3 =	vsel vm2, v1, v3  }
0x178: {  	v2 =	vsel vm3, $0x17, v2;
	v1 =	vsel vm2, v9, v1;
	vm3 =	vgt.f32 v4, v3  }
0x179: {  	v2 =	vsel vm0, v5, v2;
	vm0 =	vgt.f32 v4, v1;
	v3 =	vsel vm3, v4, v3;
	v5 =	vld [tilespmem:s5+$0xD80]  }
0x17a: {  	v2 =	vsel vm1, $0x18, v2;
	v3 =	vsel vm0, v1, v3  }
0x17b: {  	v2 =	vsel vm2, v7, v2;
	v1 =	vsel vm0, v4, v1;
	vm1 =	vgt.f32 v8, v3  }
0x17c: {  	v2 =	vsel vm3, $0x19, v2;
	vm2 =	vgt.f32 v8, v1;
	v3 =	vsel vm1, v8, v3;
	v4 =	vld [tilespmem:s5+$0xE00]  }
0x17d: {  	v2 =	vsel vm0, v6, v2;
	v3 =	vsel vm2, v1, v3;
	v1 =	vsel vm2, v8, v1  }
0x17e: {  	v2 =	vsel vm1, $0x1A, v2;
	vm1 =	vgt.f32 v5, v3  }
0x17f: {  	vm3 =	vgt.f32 v5, v1;
	v3 =	vsel vm1, v5, v3;
	v7 =	vld [tilespmem:s5+$0xE80]  }
0x180: {  	v6 =	vsel vm0, $0x19, v6;
	v3 =	vsel vm3, v1, v3;
	v1 =	vsel vm3, v5, v1  }
0x181: {  	v2 =	vsel vm2, v6, v2;
	v5 =	vsel vm2, $0x1A, v6;
	vm0 =	vgt.f32 v4, v3  }
0x182: {  	v6 =	vsel vm3, $0x1B, v5;
	vm2 =	vgt.f32 v4, v1;
	v3 =	vsel vm0, v4, v3;
	v8 =	vld [tilespmem:s5+$0xF00]  }
0x183: {  	v2 =	vsel vm1, $0x1B, v2;
	v9 =	vsel vm2, $0x1C, v6;
	v3 =	vsel vm2, v1, v3  }
0x184: {  	v2 =	vsel vm3, v5, v2;
	v1 =	vsel vm2, v4, v1;
	vm1 =	vgt.f32 v7, v3  }
0x185: {  	v2 =	vsel vm0, $0x1C, v2;
	vm0 =	vgt.f32 v7, v1;
	v3 =	vsel vm1, v7, v3;
	v4 =	vld [tilespmem:s5+$0xF80]  }
0x186: {  	v2 =	vsel vm2, v6, v2;
	v5 =	vsel vm0, $0x1D, v9;
	v3 =	vsel vm0, v1, v3  }
0x187: {  	v2 =	vsel vm1, $0x1D, v2;
	v1 =	vsel vm0, v7, v1;
	vm1 =	vgt.f32 v8, v3  }
0x188: {  	v2 =	vsel vm0, v9, v2;
	vm0 =	vgt.f32 v8, v1;
	v3 =	vsel vm1, v8, v3;
	v6 =	vld [tilespmem:s5+$0x1000]  }
0x189: {  	v2 =	vsel vm1, $0x1E, v2;
	v7 =	vsel vm0, $0x1E, v5;
	v3 =	vsel vm0, v1, v3  }
0x18a: {  	v2 =	vsel vm0, v5, v2;
	v1 =	vsel vm0, v8, v1;
	vm0 =	vgt.f32 v4, v3  }
0x18b: {  	vm1 =	vgt.f32 v4, v1;
	v3 =	vsel vm0, v4, v3;
	v2 =	vsel vm0, $0x1F, v2;
	v5 =	vld [tilespmem:s5+$0x1080]  }
0x18c: {  	v3 =	vsel vm1, v1, v3;
	v2 =	vsel vm1, v7, v2;
	v7 =	vsel vm1, $0x1F, v7  }
0x18d: {  	v1 =	vsel vm1, v4, v1;
	vm0 =	vgt.f32 v6, v3  }
0x18e: {  	vm1 =	vgt.f32 v6, v1;
	v3 =	vsel vm0, v6, v3;
	v2 =	vsel vm0, $0x20, v2;
	v4 =	vld [tilespmem:s5+$0x1100]  }
0x18f: {  	v3 =	vsel vm1, v1, v3;
	v2 =	vsel vm1, v7, v2;
	v7 =	vsel vm1, $0x20, v7  }
0x190: {  	v1 =	vsel vm1, v6, v1;
	vm0 =	vgt.f32 v5, v3  }
0x191: {  	vm1 =	vgt.f32 v5, v1;
	v3 =	vsel vm0, v5, v3;
	v2 =	vsel vm0, $0x21, v2;
	v6 =	vld [tilespmem:s5+$0x1180]  }
0x192: {  	v3 =	vsel vm1, v1, v3;
	v2 =	vsel vm1, v7, v2;
	v1 =	vsel vm1, v5, v1  }
0x193: {  	vm0 =	vgt.f32 v4, v3  }
0x194: {  	vm2 =	vgt.f32 v4, v1;
	v3 =	vsel vm0, v4, v3;
	v2 =	vsel vm0, $0x22, v2;
	v5 =	vld [tilespmem:s5+$0x1200]  }
0x195: {  	v3 =	vsel vm2, v1, v3;
	v1 =	vsel vm2, v4, v1  }
0x196: {  	v4 =	vsel vm1, $0x21, v7;
	vm0 =	vgt.f32 v6, v3  }
0x197: {  	v7 =	vsel vm2, $0x22, v4;
	vm1 =	vgt.f32 v6, v1;
	v3 =	vsel vm0, v6, v3;
	v8 =	vld [tilespmem:s5+$0x1280]  }
0x198: {  	v2 =	vsel vm2, v4, v2;
	v4 =	vsel vm1, $0x23, v7;
	v3 =	vsel vm1, v1, v3  }
0x199: {  	v2 =	vsel vm0, $0x23, v2;
	v1 =	vsel vm1, v6, v1;
	vm0 =	vgt.f32 v5, v3  }
0x19a: {  	v2 =	vsel vm1, v7, v2;
	vm1 =	vgt.f32 v5, v1;
	v3 =	vsel vm0, v5, v3;
	v6 =	vld [tilespmem:s5+$0x1300]  }
0x19b: {  	v2 =	vsel vm0, $0x24, v2;
	v7 =	vsel vm1, $0x24, v4;
	v3 =	vsel vm1, v1, v3  }
0x19c: {  	v2 =	vsel vm1, v4, v2;
	v1 =	vsel vm1, v5, v1;
	vm0 =	vgt.f32 v8, v3  }
0x19d: {  	vm1 =	vgt.f32 v8, v1;
	v3 =	vsel vm0, v8, v3;
	v2 =	vsel vm0, $0x25, v2;
	v4 =	vld [tilespmem:s5+$0x1380]  }
0x19e: {  	v3 =	vsel vm1, v1, v3;
	v2 =	vsel vm1, v7, v2  }
0x19f: {  	v1 =	vsel vm1, v8, v1;
	vm0 =	vgt.f32 v6, v3  }
0x1a0: {  	vm2 =	vgt.f32 v6, v1;
	v3 =	vsel vm0, v6, v3;
	v5 =	vld [tilespmem:s5+$0x1400]  }
0x1a1: {  	v3 =	vsel vm2, v1, v3  }
0x1a2: {  	v2 =	vsel vm0, $0x26, v2;
	v1 =	vsel vm2, v6, v1;
	vm0 =	vgt.f32 v4, v3  }
0x1a3: {  	v6 =	vsel vm1, $0x25, v7;
	vm1 =	vgt.f32 v4, v1;
	v3 =	vsel vm0, v4, v3;
	v7 =	vld [tilespmem:s5+$0x1480]  }
0x1a4: {  	v8 =	vsel vm2, $0x26, v6;
	v3 =	vsel vm1, v1, v3;
	v1 =	vsel vm1, v4, v1  }
0x1a5: {  	v4 =	vsel vm1, $0x27, v8;
	vm3 =	vgt.f32 v5, v1;
	vm4 =	vgt.f32 v5, v3  }
0x1a6: {  	v2 =	vsel vm2, v6, v2;
	v3 =	vsel vm4, v5, v3;
	v6 =	vsel vm3, $0x28, v4;
	v9 =	vld [tilespmem:s5+$0x1500]  }
0x1a7: {  	v2 =	vsel vm0, $0x27, v2;
	v3 =	vsel vm3, v1, v3  }
0x1a8: {  	v2 =	vsel vm1, v8, v2;
	v1 =	vsel vm3, v5, v1;
	vm0 =	vgt.f32 v7, v3  }
0x1a9: {  	v2 =	vsel vm4, $0x28, v2;
	vm1 =	vgt.f32 v7, v1;
	v3 =	vsel vm0, v7, v3;
	v5 =	vld [tilespmem:s5+$0x1580]  }
0x1aa: {  	v2 =	vsel vm3, v4, v2;
	v4 =	vsel vm1, $0x29, v6;
	v3 =	vsel vm1, v1, v3  }
0x1ab: {  	v2 =	vsel vm0, $0x29, v2;
	v1 =	vsel vm1, v7, v1;
	vm0 =	vgt.f32 v9, v3  }
0x1ac: {  	v2 =	vsel vm1, v6, v2;
	vm1 =	vgt.f32 v9, v1;
	v3 =	vsel vm0, v9, v3;
	v6 =	vld [tilespmem:s5+$0x1600]  }
0x1ad: {  	v2 =	vsel vm0, $0x2A, v2;
	v3 =	vsel vm1, v1, v3;
	v1 =	vsel vm1, v9, v1  }
0x1ae: {  	v2 =	vsel vm1, v4, v2;
	vm0 =	vgt.f32 v5, v3  }
0x1af: {  	vm2 =	vgt.f32 v5, v1;
	v3 =	vsel vm0, v5, v3;
	v2 =	vsel vm0, $0x2B, v2;
	v7 =	vld [tilespmem:s5+$0x1680]  }
0x1b0: {  	v3 =	vsel vm2, v1, v3  }
0x1b1: {  	v1 =	vsel vm2, v5, v1;
	vm0 =	vgt.f32 v6, v3  }
0x1b2: {  	v4 =	vsel vm1, $0x2A, v4;
	vm1 =	vgt.f32 v6, v1;
	v3 =	vsel vm0, v6, v3;
	v5 =	vld [tilespmem:s5+$0x1700]  }
0x1b3: {  	v2 =	vsel vm2, v4, v2;
	v4 =	vsel vm2, $0x2B, v4;
	v3 =	vsel vm1, v1, v3  }
0x1b4: {  	v1 =	vsel vm1, v6, v1;
	v6 =	vsel vm1, $0x2C, v4;
	vm2 =	vgt.f32 v7, v3  }
0x1b5: {  	v2 =	vsel vm0, $0x2C, v2;
	vm0 =	vgt.f32 v7, v1;
	v3 =	vsel vm2, v7, v3;
	v8 =	vld [tilespmem:s5+$0x1780]  }
0x1b6: {  	v2 =	vsel vm1, v4, v2;
	v3 =	vsel vm0, v1, v3;
	v1 =	vsel vm0, v7, v1  }
0x1b7: {  	v4 =	vsel vm0, $0x2D, v6;
	vm1 =	vgt.f32 v5, v1;
	vm3 =	vgt.f32 v5, v3  }
0x1b8: {  	v2 =	vsel vm2, $0x2D, v2;
	v3 =	vsel vm3, v5, v3;
	v7 =	vsel vm1, $0x2E, v4;
	v9 =	vld [tilespmem:s5+$0x1800]  }
0x1b9: {  	v2 =	vsel vm0, v6, v2;
	v3 =	vsel vm1, v1, v3  }
0x1ba: {  	v2 =	vsel vm3, $0x2E, v2;
	v1 =	vsel vm1, v5, v1;
	vm0 =	vgt.f32 v8, v3  }
0x1bb: {  	v2 =	vsel vm1, v4, v2;
	vm1 =	vgt.f32 v8, v1;
	v3 =	vsel vm0, v8, v3;
	v4 =	vld [tilespmem:s5+$0x1880]  }
0x1bc: {  	v2 =	vsel vm0, $0x2F, v2;
	v5 =	vsel vm1, $0x2F, v7;
	v3 =	vsel vm1, v1, v3  }
0x1bd: {  	v2 =	vsel vm1, v7, v2;
	v1 =	vsel vm1, v8, v1;
	vm0 =	vgt.f32 v9, v3  }
0x1be: {  	vm1 =	vgt.f32 v9, v1;
	v3 =	vsel vm0, v9, v3;
	v2 =	vsel vm0, $0x30, v2;
	v6 =	vld [tilespmem:s5+$0x1900]  }
0x1bf: {  	v3 =	vsel vm1, v1, v3;
	v2 =	vsel vm1, v5, v2  }
0x1c0: {  	v1 =	vsel vm1, v9, v1;
	vm0 =	vgt.f32 v4, v3  }
0x1c1: {  	vm2 =	vgt.f32 v4, v1;
	v3 =	vsel vm0, v4, v3;
	v2 =	vsel vm0, $0x31, v2;
	v7 =	vld [tilespmem:s5+$0x1980]  }
0x1c2: {  	v3 =	vsel vm2, v1, v3  }
0x1c3: {  	v1 =	vsel vm2, v4, v1;
	vm0 =	vgt.f32 v6, v3  }
0x1c4: {  	vm3 =	vgt.f32 v6, v1;
	v3 =	vsel vm0, v6, v3;
	v4 =	vld [tilespmem:s5+$0x1A00]  }
0x1c5: {  	v5 =	vsel vm1, $0x30, v5;
	v3 =	vsel vm3, v1, v3  }
0x1c6: {  	v8 =	vsel vm2, $0x31, v5;
	v1 =	vsel vm3, v6, v1;
	vm1 =	vgt.f32 v7, v3  }
0x1c7: {  	v2 =	vsel vm2, v5, v2;
	vm2 =	vgt.f32 v7, v1;
	v3 =	vsel vm1, v7, v3;
	v5 =	vld [tilespmem:s5+$0x1A80]  }
0x1c8: {  	v2 =	vsel vm0, $0x32, v2;
	v6 =	vsel vm3, $0x32, v8;
	v3 =	vsel vm2, v1, v3  }
0x1c9: {  	v1 =	vsel vm2, v7, v1;
	v7 =	vsel vm2, $0x33, v6;
	vm0 =	vgt.f32 v4, v3  }
0x1ca: {  	v2 =	vsel vm3, v8, v2;
	vm9 =	vgt.f32 v4, v1;
	v3 =	vsel vm0, v4, v3;
	v8 =	vld [tilespmem:s5+$0x1B00]  }
0x1cb: {  	v2 =	vsel vm1, $0x33, v2;
	v3 =	vsel vm9, v1, v3;
	v1 =	vsel vm9, v4, v1  }
0x1cc: {  	v2 =	vsel vm2, v6, v2;
	vm1 =	vgt.f32 v5, v3  }
0x1cd: {  	v2 =	vsel vm0, $0x34, v2;
	vm12 =	vgt.f32 v5, v1;
	v3 =	vsel vm1, v5, v3;
	v4 =	vld [tilespmem:s5+$0x1B80]  }
0x1ce: {  	v2 =	vsel vm9, v7, v2;
	v3 =	vsel vm12, v1, v3;
	v1 =	vsel vm12, v5, v1  }
0x1cf: {  	v2 =	vsel vm1, $0x35, v2;
	vm10 =	vgt.f32 v8, v3  }
0x1d0: {  	vm0 =	vgt.f32 v8, v1;
	v3 =	vsel vm10, v8, v3;
	v5 =	vld [tilespmem:s5+$0x1C00]  }
0x1d1: {  	v3 =	vsel vm0, v1, v3;
	v1 =	vsel vm0, v8, v1  }
0x1d2: {  	vm3 =	vgt.f32 v4, v3  }
0x1d3: {  	vm1 =	vgt.f32 v4, v1;
	v3 =	vsel vm3, v4, v3;
	v6 =	vld [tilespmem:s5+$0x1C80]  }
0x1d4: {  	v3 =	vsel vm1, v1, v3;
	v1 =	vsel vm1, v4, v1  }
0x1d5: {  	vm5 =	vgt.f32 v5, v3  }
0x1d6: {  	vm2 =	vgt.f32 v5, v1;
	v3 =	vsel vm5, v5, v3;
	v4 =	vld [tilespmem:s5+$0x1D00]  }
0x1d7: {  	v3 =	vsel vm2, v1, v3;
	v1 =	vsel vm2, v5, v1  }
0x1d8: {  	vm6 =	vgt.f32 v6, v3  }
0x1d9: {  	vm4 =	vgt.f32 v6, v1;
	v3 =	vsel vm6, v6, v3;
	v5 =	vld [tilespmem:s5+$0x1D80]  }
0x1da: {  	v3 =	vsel vm4, v1, v3;
	v1 =	vsel vm4, v6, v1  }
0x1db: {  	vm8 =	vgt.f32 v4, v3  }
0x1dc: {  	vm7 =	vgt.f32 v4, v1;
	v3 =	vsel vm8, v4, v3;
	v6 =	vld [tilespmem:s5+$0x1E00]  }
0x1dd: {  	v3 =	vsel vm7, v1, v3;
	v1 =	vsel vm7, v4, v1  }
0x1de: {  	v4 =	vsel vm9, $0x34, v7;
	vm9 =	vgt.f32 v5, v3  }
0x1df: {  	v7 =	vsel vm12, $0x35, v4;
	vm11 =	vgt.f32 v5, v1;
	v3 =	vsel vm9, v5, v3;
	v8 =	vld [tilespmem:s5+$0x1E80]  }
0x1e0: {  	v9 =	vsel vm0, $0x36, v7;
	v3 =	vsel vm11, v1, v3;
	v1 =	vsel vm11, v5, v1  }
0x1e1: {  	v2 =	vsel vm12, v4, v2;
	v4 =	vsel vm1, $0x37, v9;
	vm12 =	vgt.f32 v6, v3  }
0x1e2: {  	v5 =	vsel vm2, $0x38, v4;
	vm13 =	vgt.f32 v6, v1;
	v3 =	vsel vm12, v6, v3;
	v10 =	vld [tilespmem:s5+$0x1F00]  }
0x1e3: {  	v11 =	vsel vm4, $0x39, v5;
	v3 =	vsel vm13, v1, v3;
	v1 =	vsel vm13, v6, v1  }
0x1e4: {  	v2 =	vsel vm10, $0x36, v2;
	v6 =	vsel vm7, $0x3A, v11;
	vm10 =	vgt.f32 v8, v3  }
0x1e5: {  	v12 =	vsel vm11, $0x3B, v6;
	vm14 =	vgt.f32 v8, v1;
	v3 =	vsel vm10, v8, v3;
	v13 =	vld [tilespmem:s5+$0x1F80]  }
0x1e6: {  	v14 =	vsel vm13, $0x3C, v12;
	v3 =	vsel vm14, v1, v3;
	v1 =	vsel vm14, v8, v1  }
0x1e7: {  	v2 =	vsel vm0, v7, v2;
	v7 =	vsel vm14, $0x3D, v14;
	vm0 =	vgt.f32 v10, v3  }
0x1e8: {  	v2 =	vsel vm3, $0x37, v2;
	vm3 =	vgt.f32 v10, v1;
	v3 =	vsel vm0, v10, v3  }
0x1e9: {  	v2 =	vsel vm1, v9, v2;
	v3 =	vsel vm3, v1, v3;
	v1 =	vsel vm3, v10, v1  }
0x1ea: {  	v2 =	vsel vm5, $0x38, v2;
	v8 =	vsel vm3, $0x3E, v7;
	vm1 =	vgt.f32 v13, v3  }
0x1eb: {  	v2 =	vsel vm2, v4, v2;
	vm2 =	vgt.f32 v13, v1;
	v3 =	vsel vm1, v13, v3  }
0x1ec: {  	v2 =	vsel vm6, $0x39, v2;
	v3 =	vsel vm2, v1, v3;
	v1 =	vsel vm2, v13, v1  }
0x1ed: {  	v2 =	vsel vm4, v5, v2;
	v4 =	vsel vm2, $0x3F, v8;
	v1 =	vsub.f32 v3, v1  }
0x1ee: {  	v2 =	vsel vm8, $0x3A, v2;
	[tilespmem:$0x2100] =	vst v4  }
0x1ef: {  	v2 =	vsel vm7, v11, v2;
	v1 =	vmul.f32 $1.442695020e+00, v1  }
0x1f0: {  	v2 =	vsel vm9, $0x3B, v2  }
0x1f1: {  	v2 =	vsel vm11, v6, v2;
	(erf) = vpow2.f32 v1  }
0x1f2: {  	v1 =	vsel vm12, $0x3C, v2  }
0x1f3: {  	v1 =	vsel vm13, v12, v1  }
0x1f4: {  	v1 =	vsel vm10, $0x3D, v1  }
0x1f5: {  	v1 =	vsel vm14, v14, v1  }
0x1f6: {  	v1 =	vsel vm0, $0x3E, v1  }
0x1f7: {  	v1 =	vsel vm3, v7, v1  }
0x1f8: {  	v3 =	vsel vm1, $0x3F, v1  }
0x1f9: {  	v2 =	vsel vm2, v8, v3  }
0x1fa: {  	[tilespmem:$0x2180] =	vst v2;
	v1 =	vpop (erf)  }
0x1fb: {  	v1 =	vadd.f32 $1.000000000e+00, v1;
	_ =	sdelay $0x1  }
0x1fc: {  	(erf) = vrcp.f32 v1;
	_ =	sdelay $0x8  }
0x1fd: {  	v1 =	vpop (erf)  }
0x1fe: {  	[tilespmem:$0x2000] =	vst v1;
	v1 =	vsub.f32 $1.000000000e+00, v1;
	_ =	sdelay $0x1  }
0x1ff: {  	[tilespmem:$0x2080] =	vst v1  }
0x200: {  	[hbm4b:s6+s3] =	stream.linear.scatter [tilespmem:s7], [sflag:$0x1], $0x10, $0x38;
	[tilespmem:$0x2200] =	vst v63  }
0x201: {  	_ =	swait.ge [sflag:s4], $0x10  }
0x202: {  	[sflag:s4] =	ssyncset.done $0x0  }
0x203: {  	[sflag:s4] =	ssyncadd.s32 $0xFFFFFFF0  }
0x204: {  	[hbm4b:s8+s3] =	stream.linear.scatter [tilespmem:s9], [sflag:$0x1], $0x10, $0x38;
	[tilespmem:$0x2200] =	vst v63  }
0x205: {  	_ =	swait.ge [sflag:s4], $0x10  }
0x206: {  	[sflag:s4] =	ssyncset.done $0x0  }
0x207: {  	[sflag:s4] =	ssyncadd.s32 $0xFFFFFFF0  }
0x208: {  	[hbm4b:s10+s3] =	stream.linear.scatter [tilespmem:s11], [sflag:$0x1], $0x10, $0x38;
	[tilespmem:$0x2200] =	vst v63  }
0x209: {  	_ =	swait.ge [sflag:s4], $0x10  }
.Ltmp2:
0x20a: {  	[sflag:s4] =	ssyncset.done $0x0;
	(pc) =	sbr.rel @p0 .LBB2_2-.Ltmp2, $4  }
0x20b: {  	[sflag:s4] =	ssyncadd.s32 $0xFFFFFFF0  }
0x20c: {  	[hbm4b:s12+s3] =	stream.linear.scatter [tilespmem:s13], [sflag:$0x1], $0x10, $0x38;
	[tilespmem:$0x2200] =	vst v63  }
0x20d: {  	_ =	swait.ge [sflag:s4], $0x10  }
0x20e: {  	[sflag:s4] =	ssyncset.done $0x0  }
.LBB2_3:
0x20f: {  	[sflag:s4] =	ssyncadd.s32 $0xFFFFFFF0  }
.LBB2_4:
0x210: {  	_ =	sfence.sel $0x180000  }
0x211: {  	[bflag:$0x0] =	sbarrier.arrive $0xFFFF  }
0x212: {  	p0 =	sne.s32 s1, $0x0;
	_ =	strace $0x90000047  }
0x213: {  	s0 =	sadd.s32 @!p0 $0x100000, s0;
	[bflag:$0x2] =	sbarrier.arrive $0xFFFF  }
0x214: {  	[sflag:s0] =	ssyncadd.tile.s32 @!p0 $0x1;
	_ =	shalt  }
.Lfunc_end2:
_tile_overlayer_lowered:
.L_overlay_start_2:
0x215: {  	(tag) =	ssettag $0x2  }
0x216: {  	s0 =	rddreg [dreg:$0x0];
	s2 =	stileid.u32  }
0x217: {  	s1 =	rddreg [dreg:$0x1];
	p0 =	sne.s32 s2, $0x0  }
0x218: {  	s3 =	rddreg [dreg:$0x2];
	[bflag:$0x3] =	sbarrier.arrive $0xFFFF;
	s2 =	simm.s32 @!p0 $0x1C01  }
0x219: {  	[timem:s3], [sflag:s2] =	dma.local @!p0 [hbm:s0], s1  }
0x21a: {  	s0 =	simm.s32 @!p0 $0x1  }
0x21b: {  	_ =	swait.ge @!p0 [sflag:s0], s1  }
0x21c: {  	s1 =	ssub.s32 @!p0 $0x0, s1;
	[sflag:s0] =	ssyncset.done @!p0 $0x0  }
0x21d: {  	[sflag:s0] =	ssyncadd.s32 @!p0 s1  }
0x21e: {  	[bflag:$0x3] =	sbarrier.arrive $0xFFFF  }
0x21f: {  	_ =	shalt  }

</sc_bundles>
